<compile_context>
chip_gen: v7x
topology: tpu7x:2x2x1
jax: 0.10.2.dev20260603
libtpu: 0.0.44.dev20260713+nightly
codegen_flags: <defaults>
</compile_context>

<pallas_src>
import functools

import jax
import jax.numpy as jnp
from jax import lax
from jax.experimental import pallas as pl
from jax.experimental.pallas import tpu as pltpu
from jax.experimental.pallas import tpu_sc as plsc

_N = 512
_M = 512
_F = 96
_B = 524288
_HID = 64

_NC = 2
_NS = 16
_NW = _NC * _NS
_ROWS_PER_W = _B // _NW
_CHUNK = 128

_TB = 2048


_SUP = 4096
_SUP_CHUNKS = _SUP // _CHUNK


def _feat_body(x0_hbm, x1_hbm, x2_hbm, xy_hbm, yz_hbm, xz_hbm, feat_hbm,
               x0v, x1v, x2v, ixy, iyz, bufs, obuf, gsem, wsem, xsem):
    wid = lax.axis_index("s") * _NC + lax.axis_index("c")
    wbase = wid * _ROWS_PER_W

    def issue_gathers(sbase, g, bset):
        isl = pl.ds(g * _CHUNK, _CHUNK)
        ba, bb, bc = bufs[bset]
        ca = pltpu.async_copy(xy_hbm.at[ixy.at[isl]], ba, gsem)
        cb = pltpu.async_copy(yz_hbm.at[iyz.at[isl]], bb, gsem)
        cc = pltpu.async_copy(xz_hbm.at[iyz.at[isl]], bc, gsem)
        return ca, cb, cc

    def wait_gathers(bset):
        ba, bb, bc = bufs[bset]
        pltpu.make_async_copy(xy_hbm.at[ixy.at[pl.ds(0, _CHUNK)]], ba, gsem).wait()
        pltpu.make_async_copy(yz_hbm.at[iyz.at[pl.ds(0, _CHUNK)]], bb, gsem).wait()
        pltpu.make_async_copy(xz_hbm.at[iyz.at[pl.ds(0, _CHUNK)]], bc, gsem).wait()

    def wait_writeout(ob):
        pltpu.make_async_copy(ob, feat_hbm.at[pl.ds(0, _CHUNK)], wsem).wait()

    @pl.loop(0, _ROWS_PER_W, step=_SUP)
    def _sup(s0):
        sbase = wbase + s0
        cp0 = pltpu.async_copy(x0_hbm.at[pl.ds(sbase, _SUP)], x0v, xsem)
        cp1 = pltpu.async_copy(x1_hbm.at[pl.ds(sbase, _SUP)], x1v, xsem)
        cp2 = pltpu.async_copy(x2_hbm.at[pl.ds(sbase, _SUP)], x2v, xsem)
        cp0.wait()
        cp1.wait()
        cp2.wait()

        @pl.loop(0, _SUP, step=16)
        def _idx(i):
            s = pl.ds(i, 16)
            a0 = x0v[s]
            a1 = x1v[s]
            a2 = x2v[s]
            fi = (a0 * 0.5 + 0.5) * float(_N)
            fj = (a1 * 0.5 + 0.5) * float(_M)
            gi = (a1 * 0.5 + 0.5) * float(_N)
            gj = (a2 * 0.5 + 0.5) * float(_M)
            ii = jnp.clip(fi.astype(jnp.int32), 0, _N - 1)
            jj = jnp.clip(fj.astype(jnp.int32), 0, _M - 1)
            ki = jnp.clip(gi.astype(jnp.int32), 0, _N - 1)
            kj = jnp.clip(gj.astype(jnp.int32), 0, _M - 1)
            ixy[s] = ii * _M + jj
            iyz[s] = ki * _M + kj

        issue_gathers(sbase, 0, 0)

        @pl.loop(0, _SUP_CHUNKS, step=2)
        def _chunk(g0):
            for b in range(2):
                g = g0 + b

                @pl.when(g + 1 < _SUP_CHUNKS)
                def _():
                    issue_gathers(sbase, g + 1, (b + 1) % 2)

                wait_gathers(b)

                @pl.when(g >= 2)
                def _():
                    wait_writeout(obuf[b])

                ba, bb, bc = bufs[b]
                ob = obuf[b]

                @pl.loop(0, _CHUNK)
                def _mul(r):
                    ra = ba.at[r]
                    rb = bb.at[r]
                    rc = bc.at[r]
                    ro = ob.at[r]
                    for col in range(_F // 16):
                        sl = pl.ds(col * 16, 16)
                        ro[sl] = ra[sl] * rb[sl] * rc[sl]

                pltpu.async_copy(
                    ob, feat_hbm.at[pl.ds(sbase + g * _CHUNK, _CHUNK)], wsem)

        wait_writeout(obuf[0])
        wait_writeout(obuf[1])


def _feat(x0, x1, x2, xyf, yzf, xzf):
    mesh = plsc.VectorSubcoreMesh(core_axis_name="c", subcore_axis_name="s")
    buf_t = pltpu.VMEM((_CHUNK, _F), jnp.float32)
    k = pl.kernel(
        _feat_body,
        out_type=jax.ShapeDtypeStruct((_B, _F), jnp.float32),
        mesh=mesh,
        compiler_params=pltpu.CompilerParams(use_tc_tiling_on_sc=False),
        scratch_types=[
            pltpu.VMEM((_SUP,), jnp.float32),
            pltpu.VMEM((_SUP,), jnp.float32),
            pltpu.VMEM((_SUP,), jnp.float32),
            pltpu.VMEM((_SUP,), jnp.int32),
            pltpu.VMEM((_SUP,), jnp.int32),
            ((buf_t, buf_t, buf_t), (buf_t, buf_t, buf_t)),
            (buf_t, buf_t),
            pltpu.SemaphoreType.DMA,
            pltpu.SemaphoreType.DMA,
            pltpu.SemaphoreType.DMA,
        ],
    )
    return k(x0, x1, x2, xyf, yzf, xzf)


def _mlp_body(feat_ref, xt_ref, dt_ref, w1t, b1, w2t, b2, w3t, b3, w4t, b4,
              w5t, b5, ct_ref, sigt_ref):
    hp = lax.Precision.DEFAULT
    f = feat_ref[...]
    h = lax.dot_general(w1t[...], f, (((1,), (1,)), ((), ())),
                        preferred_element_type=jnp.float32, precision=hp)
    h = jnp.maximum(h + b1[...], 0.0)
    h2 = jnp.dot(w2t[...], h, preferred_element_type=jnp.float32, precision=hp)
    h2 = jnp.maximum(h2 + b2[...], 0.0)

    dt = dt_ref[...]
    s1 = jnp.sin(dt)
    c1 = jnp.cos(dt)
    s2 = 2.0 * s1 * c1
    c2 = 1.0 - 2.0 * s1 * s1
    s4 = 2.0 * s2 * c2
    c4 = 1.0 - 2.0 * s2 * s2
    s8 = 2.0 * s4 * c4
    c8 = 1.0 - 2.0 * s4 * s4
    zeros5 = jnp.zeros((5, dt.shape[1]), jnp.float32)
    pe48 = jnp.concatenate(
        [dt, s1, c1, s2, c2, s4, c4, s8, c8, zeros5, h2], axis=0)

    z = jnp.dot(w3t[...], pe48, preferred_element_type=jnp.float32,
                precision=hp)
    z = jnp.maximum(z + b3[...], 0.0)
    z = jnp.dot(w4t[...], z, preferred_element_type=jnp.float32, precision=hp)
    z = jnp.maximum(z + b4[...], 0.0)
    cm = jax.nn.sigmoid(
        jnp.dot(w5t[...], z, preferred_element_type=jnp.float32, precision=hp)
        + b5[...])

    xa = jnp.abs(xt_ref[...]) < 1.0
    m = xa[0:1, :] & xa[1:2, :] & xa[2:3, :]
    sigt_ref[...] = jnp.where(m, h2[15:16, :], 0.0)
    ct_ref[...] = jnp.where(m, cm, 0.0)


def _row2(i):
    return (i, 0)


def _col2(i):
    return (0, i)


def _fixed_spec(a):
    return pl.BlockSpec(a.shape, lambda i: (0,) * a.ndim)


def _mlp(feat, xt, dt, w1t, b1, w2t, b2, w3t, b3, w4t, b4, w5t, b5):
    weights = [w1t, b1, w2t, b2, w3t, b3, w4t, b4, w5t, b5]
    grid = (_B // _TB,)
    return pl.pallas_call(
        _mlp_body,
        grid=grid,
        in_specs=[
            pl.BlockSpec((_TB, _F), _row2),
            pl.BlockSpec((3, _TB), _col2),
            pl.BlockSpec((3, _TB), _col2),
        ] + [_fixed_spec(w) for w in weights],
        out_specs=[
            pl.BlockSpec((3, _TB), _col2),
            pl.BlockSpec((1, _TB), _col2),
        ],
        out_shape=[
            jax.ShapeDtypeStruct((3, _B), jnp.float32),
            jax.ShapeDtypeStruct((1, _B), jnp.float32),
        ],
    )(feat, xt, dt, *weights)


def kernel(x, d, xy_plane, yz_plane, xz_plane, W1, b1, W2, b2, W3, b3, W4,
           b4, W5, b5):
    x0 = x[:, 0]
    x1 = x[:, 1]
    x2 = x[:, 2]
    xyf = xy_plane.reshape(_N * _M, _F)
    yzf = yz_plane.reshape(_N * _M, _F)
    xzf = xz_plane.reshape(_N * _M, _F)
    feat = _feat(x0, x1, x2, xyf, yzf, xzf)

    w3full = jnp.concatenate(
        [W3[:27], jnp.zeros((5, _HID), jnp.float32), W3[27:],
         jnp.zeros((1, _HID), jnp.float32)], axis=0)
    ct, sigt = _mlp(feat, x.T, d.T, W1.T, b1.reshape(-1, 1), W2.T,
                    b2.reshape(-1, 1), w3full.T, b3.reshape(-1, 1), W4.T,
                    b4.reshape(-1, 1), W5.T, b5.reshape(-1, 1))
    return ct.T, sigt[0]

# --- scband reference (transcript-rebuilt; emitter-appended) ---
"""Pipeline reference for scband-nerf-model-43276090474699 (READ-ONLY COPY).

The authoritative reference and input builder live on the scoring server;
editing this copy changes nothing except your own understanding.
"""

import jax, jax.numpy as jnp
import numpy as np

N = 512
M = 512
F_DIM = 96
HID = 64
B = 524288
L_DIR = 4
SX = 1.0
SY = 1.0
SZ = 1.0


def positional_encoding(x, L):
    out = [x]
    for j in range(L):
        out.append(jnp.sin(2.0 ** j * x))
        out.append(jnp.cos(2.0 ** j * x))
    return jnp.concatenate(out, axis=1)


def _linear_params(key, fan_in, fan_out):
    k1, k2 = jax.random.split(key)
    bound = 1.0 / np.sqrt(fan_in)
    W = jax.random.uniform(k1, (fan_in, fan_out), minval=-bound, maxval=bound, dtype=jnp.float32)
    b = jax.random.uniform(k2, (fan_out,), minval=-bound, maxval=bound, dtype=jnp.float32)
    return W, b


def setup_inputs(seed: int = 0) -> dict:
    key = jax.random.key(seed)
    ks = jax.random.split(key, 10)
    inp = {}
    inp["x"] = jax.random.normal(ks[0], (B, 3), dtype=jnp.float32)
    inp["d"] = jax.random.normal(ks[1], (B, 3), dtype=jnp.float32)
    inp["xy_plane"] = jax.random.uniform(ks[2], (N, N, F_DIM), dtype=jnp.float32)
    inp["yz_plane"] = jax.random.uniform(ks[3], (N, M, F_DIM), dtype=jnp.float32)
    inp["xz_plane"] = jax.random.uniform(ks[4], (N, M, F_DIM), dtype=jnp.float32)
    inp["W1"], inp["b1"] = _linear_params(ks[5], F_DIM, HID)
    inp["W2"], inp["b2"] = _linear_params(ks[6], HID, 16)
    in2 = 15 + 3 * L_DIR * 2 + 3
    inp["W3"], inp["b3"] = _linear_params(ks[7], in2, HID)
    inp["W4"], inp["b4"] = _linear_params(ks[8], HID, HID)
    inp["W5"], inp["b5"] = _linear_params(ks[9], HID, 3)
    return inp


def _indices(x):
    xy_i = jnp.clip(((x[:, 0] / (2 * SX) + 0.5) * N).astype(jnp.int32), 0, N - 1)
    xy_j = jnp.clip(((x[:, 1] / (2 * SY) + 0.5) * M).astype(jnp.int32), 0, M - 1)
    yz_i = jnp.clip(((x[:, 1] / (2 * SY) + 0.5) * N).astype(jnp.int32), 0, N - 1)
    yz_j = jnp.clip(((x[:, 2] / (2 * SZ) + 0.5) * M).astype(jnp.int32), 0, M - 1)
    # note: original code (faithfully) uses scale_x with x[:,1] for the xz plane
    xz_i = jnp.clip(((x[:, 1] / (2 * SX) + 0.5) * N).astype(jnp.int32), 0, N - 1)
    xz_j = jnp.clip(((x[:, 2] / (2 * SZ) + 0.5) * M).astype(jnp.int32), 0, M - 1)
    mask = (jnp.abs(x[:, 0]) < SX) & (jnp.abs(x[:, 1]) < SY) & (jnp.abs(x[:, 2]) < SZ)
    return mask, xy_i, xy_j, yz_i, yz_j, xz_i, xz_j


def reference(x, d, xy_plane, yz_plane, xz_plane, W1, b1, W2, b2, W3, b3, W4, b4, W5, b5):
    mask, xy_i, xy_j, yz_i, yz_j, xz_i, xz_j = _indices(x)
    F_xy = xy_plane[xy_i, xy_j]
    F_yz = yz_plane[yz_i, yz_j]
    F_xz = xz_plane[xz_i, xz_j]
    Feat = F_xy * F_yz * F_xz
    h = jax.nn.relu(Feat @ W1 + b1)
    h = jax.nn.relu(h @ W2 + b2)
    h_feat = h[:, :-1]
    sig = h[:, -1]
    pe = positional_encoding(d, L_DIR)
    z = jax.nn.relu(jnp.concatenate([pe, h_feat], axis=1) @ W3 + b3)
    z = jax.nn.relu(z @ W4 + b4)
    c_m = jax.nn.sigmoid(z @ W5 + b5)
    sigma = jnp.where(mask, sig, jnp.zeros_like(x[:, 0]))
    c = jnp.where(mask[:, None], c_m, jnp.zeros_like(x))
    return (c, sigma)

if __name__ == "__main__":
    import jax
    _d = setup_inputs()
    print(jax.jit(kernel)(*tuple(_d.values())))

</pallas_src>

<mosaic_0001>
#map = affine_map<(d0, d1) -> (0)>
#map1 = affine_map<(d0, d1) -> (0, 0)>
module attributes {stable_mosaic.version = 14 : i64} {
  func.func @_feat_body(%arg0: i32, %arg1: i32, %arg2: memref<524288xf32, #tpu.memory_space<hbm>>, %arg3: memref<524288xf32, #tpu.memory_space<hbm>>, %arg4: memref<524288xf32, #tpu.memory_space<hbm>>, %arg5: memref<262144x96xf32, #tpu.memory_space<hbm>>, %arg6: memref<262144x96xf32, #tpu.memory_space<hbm>>, %arg7: memref<262144x96xf32, #tpu.memory_space<hbm>>, %arg8: memref<524288x96xf32, #tpu.memory_space<hbm>>, %arg9: memref<4096xf32, #tpu.memory_space<vmem>>, %arg10: memref<4096xf32, #tpu.memory_space<vmem>>, %arg11: memref<4096xf32, #tpu.memory_space<vmem>>, %arg12: memref<4096xi32, #tpu.memory_space<vmem>>, %arg13: memref<4096xi32, #tpu.memory_space<vmem>>, %arg14: memref<128x96xf32, #tpu.memory_space<vmem>>, %arg15: memref<128x96xf32, #tpu.memory_space<vmem>>, %arg16: memref<128x96xf32, #tpu.memory_space<vmem>>, %arg17: memref<128x96xf32, #tpu.memory_space<vmem>>, %arg18: memref<128x96xf32, #tpu.memory_space<vmem>>, %arg19: memref<128x96xf32, #tpu.memory_space<vmem>>, %arg20: memref<128x96xf32, #tpu.memory_space<vmem>>, %arg21: memref<128x96xf32, #tpu.memory_space<vmem>>, %arg22: memref<!tpu.dma_semaphore, #tpu.memory_space<semaphore_mem>>, %arg23: memref<!tpu.dma_semaphore, #tpu.memory_space<semaphore_mem>>, %arg24: memref<!tpu.dma_semaphore, #tpu.memory_space<semaphore_mem>>) attributes {dimension_semantics = [#tpu.dimension_semantics<core_parallel>, #tpu.dimension_semantics<subcore_parallel>], iteration_bounds = array<i64: 2, 16>, scalar_prefetch = 0 : i64, scratch_operands = 16 : i64, tpu.core_type = #tpu.core_type<sc_vector_subcore>, window_params = [{transform_indices = #map}, {transform_indices = #map}, {transform_indices = #map}, {transform_indices = #map1}, {transform_indices = #map1}, {transform_indices = #map1}, {transform_indices = #map1}]} {
    %mul3A = arith.constant 2 : i32
    %mul3A_0 = arith.muli %arg1, %mul3A : i32
    %add3A = arith.addi %mul3A_0, %arg0 : i32
    %mul3A_1 = arith.constant 16384 : i32
    %mul3A_2 = arith.muli %add3A, %mul3A_1 : i32
    %scan3A = arith.constant 0 : i32
    %scan3A_3 = arith.constant 4 : i32
    %scan3A_4 = arith.addi %scan3A, %scan3A_3 : i32
    %scan3A_5 = arith.constant 1 : i32
    scf.for %scan3A_7 = %scan3A to %scan3A_4 step %scan3A_5  : i32 {
      %mul3A_8 = arith.constant 4096 : i32
      %mul3A_9 = arith.muli %scan3A_7, %mul3A_8 : i32
      %add3A_10 = arith.constant 0 : i32
      %add3A_11 = arith.addi %add3A_10, %mul3A_9 : i32
      %add3A_12 = arith.addi %mul3A_2, %add3A_11 : i32
      %dma_start3A = tpu.memref_slice %arg2[%add3A_12] : memref<524288xf32, #tpu.memory_space<hbm>> -> memref<4096xf32, #tpu.memory_space<hbm>>
      %dma_start3A_13 = tpu.memref_slice %arg2[%add3A_12] : memref<524288xf32, #tpu.memory_space<hbm>> -> memref<4096xf32, #tpu.memory_space<hbm>>
      tpu.enqueue_dma source(%dma_start3A_13 : memref<4096xf32, #tpu.memory_space<hbm>>) target(%arg9 : memref<4096xf32, #tpu.memory_space<vmem>>) target_semaphore(%arg24 : memref<!tpu.dma_semaphore, #tpu.memory_space<semaphore_mem>>)
      %dma_start3A_14 = tpu.memref_slice %arg3[%add3A_12] : memref<524288xf32, #tpu.memory_space<hbm>> -> memref<4096xf32, #tpu.memory_space<hbm>>
      %dma_start3A_15 = tpu.memref_slice %arg3[%add3A_12] : memref<524288xf32, #tpu.memory_space<hbm>> -> memref<4096xf32, #tpu.memory_space<hbm>>
      tpu.enqueue_dma source(%dma_start3A_15 : memref<4096xf32, #tpu.memory_space<hbm>>) target(%arg10 : memref<4096xf32, #tpu.memory_space<vmem>>) target_semaphore(%arg24 : memref<!tpu.dma_semaphore, #tpu.memory_space<semaphore_mem>>)
      %dma_start3A_16 = tpu.memref_slice %arg4[%add3A_12] : memref<524288xf32, #tpu.memory_space<hbm>> -> memref<4096xf32, #tpu.memory_space<hbm>>
      %dma_start3A_17 = tpu.memref_slice %arg4[%add3A_12] : memref<524288xf32, #tpu.memory_space<hbm>> -> memref<4096xf32, #tpu.memory_space<hbm>>
      tpu.enqueue_dma source(%dma_start3A_17 : memref<4096xf32, #tpu.memory_space<hbm>>) target(%arg11 : memref<4096xf32, #tpu.memory_space<vmem>>) target_semaphore(%arg24 : memref<!tpu.dma_semaphore, #tpu.memory_space<semaphore_mem>>)
      %dma_wait3A = tpu.memref_slice %arg2[%add3A_12] : memref<524288xf32, #tpu.memory_space<hbm>> -> memref<4096xf32, #tpu.memory_space<hbm>>
      %dma_wait3A_18 = tpu.memref_slice %arg2[%add3A_12] : memref<524288xf32, #tpu.memory_space<hbm>> -> memref<4096xf32, #tpu.memory_space<hbm>>
      tpu.wait_dma2 semaphore(%arg24 : memref<!tpu.dma_semaphore, #tpu.memory_space<semaphore_mem>>) src(%dma_wait3A_18 : memref<4096xf32, #tpu.memory_space<hbm>>) dst(%arg9 : memref<4096xf32, #tpu.memory_space<vmem>>)
      %dma_wait3A_19 = tpu.memref_slice %arg3[%add3A_12] : memref<524288xf32, #tpu.memory_space<hbm>> -> memref<4096xf32, #tpu.memory_space<hbm>>
      %dma_wait3A_20 = tpu.memref_slice %arg3[%add3A_12] : memref<524288xf32, #tpu.memory_space<hbm>> -> memref<4096xf32, #tpu.memory_space<hbm>>
      tpu.wait_dma2 semaphore(%arg24 : memref<!tpu.dma_semaphore, #tpu.memory_space<semaphore_mem>>) src(%dma_wait3A_20 : memref<4096xf32, #tpu.memory_space<hbm>>) dst(%arg10 : memref<4096xf32, #tpu.memory_space<vmem>>)
      %dma_wait3A_21 = tpu.memref_slice %arg4[%add3A_12] : memref<524288xf32, #tpu.memory_space<hbm>> -> memref<4096xf32, #tpu.memory_space<hbm>>
      %dma_wait3A_22 = tpu.memref_slice %arg4[%add3A_12] : memref<524288xf32, #tpu.memory_space<hbm>> -> memref<4096xf32, #tpu.memory_space<hbm>>
      tpu.wait_dma2 semaphore(%arg24 : memref<!tpu.dma_semaphore, #tpu.memory_space<semaphore_mem>>) src(%dma_wait3A_22 : memref<4096xf32, #tpu.memory_space<hbm>>) dst(%arg11 : memref<4096xf32, #tpu.memory_space<vmem>>)
      %scan3A_23 = arith.constant 0 : i32
      %scan3A_24 = arith.constant 256 : i32
      %scan3A_25 = arith.addi %scan3A_23, %scan3A_24 : i32
      %scan3A_26 = arith.constant 1 : i32
      scf.for %scan3A_60 = %scan3A_23 to %scan3A_25 step %scan3A_26  : i32 {
        %mul3A_61 = arith.constant 16 : i32
        %mul3A_62 = arith.muli %scan3A_60, %mul3A_61 : i32
        %add3A_63 = arith.constant 0 : i32
        %add3A_64 = arith.addi %add3A_63, %mul3A_62 : i32
        %get3A = arith.index_cast %add3A_64 : i32 to index
        %get3A_65 = tpu.vector_load %arg9[%get3A] {strides = array<i32>} : memref<4096xf32, #tpu.memory_space<vmem>>, vector<16xf32>,
        %get3A_66 = vector.shape_cast %get3A_65 : vector<16xf32> to vector<16xf32>
        %get3A_67 = arith.index_cast %add3A_64 : i32 to index
        %get3A_68 = tpu.vector_load %arg10[%get3A_67] {strides = array<i32>} : memref<4096xf32, #tpu.memory_space<vmem>>, vector<16xf32>,
        %get3A_69 = vector.shape_cast %get3A_68 : vector<16xf32> to vector<16xf32>
        %get3A_70 = arith.index_cast %add3A_64 : i32 to index
        %get3A_71 = tpu.vector_load %arg11[%get3A_70] {strides = array<i32>} : memref<4096xf32, #tpu.memory_space<vmem>>, vector<16xf32>,
        %get3A_72 = vector.shape_cast %get3A_71 : vector<16xf32> to vector<16xf32>
        %mul3A_73 = arith.constant 5.000000e-01 : f32
        %mul3A_74 = vector.broadcast %mul3A_73 : f32 to vector<16xf32>
        %mul3A_75 = arith.mulf %get3A_66, %mul3A_74 : vector<16xf32>
        %add3A_76 = arith.constant 5.000000e-01 : f32
        %add3A_77 = vector.broadcast %add3A_76 : f32 to vector<16xf32>
        %add3A_78 = arith.addf %mul3A_75, %add3A_77 : vector<16xf32>
        %mul3A_79 = arith.constant 5.120000e+02 : f32
        %mul3A_80 = vector.broadcast %mul3A_79 : f32 to vector<16xf32>
        %mul3A_81 = arith.mulf %add3A_78, %mul3A_80 : vector<16xf32>
        %mul3A_82 = arith.constant 5.000000e-01 : f32
        %mul3A_83 = vector.broadcast %mul3A_82 : f32 to vector<16xf32>
        %mul3A_84 = arith.mulf %get3A_69, %mul3A_83 : vector<16xf32>
        %add3A_85 = arith.constant 5.000000e-01 : f32
        %add3A_86 = vector.broadcast %add3A_85 : f32 to vector<16xf32>
        %add3A_87 = arith.addf %mul3A_84, %add3A_86 : vector<16xf32>
        %mul3A_88 = arith.constant 5.120000e+02 : f32
        %mul3A_89 = vector.broadcast %mul3A_88 : f32 to vector<16xf32>
        %mul3A_90 = arith.mulf %add3A_87, %mul3A_89 : vector<16xf32>
        %mul3A_91 = arith.constant 5.000000e-01 : f32
        %mul3A_92 = vector.broadcast %mul3A_91 : f32 to vector<16xf32>
        %mul3A_93 = arith.mulf %get3A_69, %mul3A_92 : vector<16xf32>
        %add3A_94 = arith.constant 5.000000e-01 : f32
        %add3A_95 = vector.broadcast %add3A_94 : f32 to vector<16xf32>
        %add3A_96 = arith.addf %mul3A_93, %add3A_95 : vector<16xf32>
        %mul3A_97 = arith.constant 5.120000e+02 : f32
        %mul3A_98 = vector.broadcast %mul3A_97 : f32 to vector<16xf32>
        %mul3A_99 = arith.mulf %add3A_96, %mul3A_98 : vector<16xf32>
        %mul3A_100 = arith.constant 5.000000e-01 : f32
        %mul3A_101 = vector.broadcast %mul3A_100 : f32 to vector<16xf32>
        %mul3A_102 = arith.mulf %get3A_72, %mul3A_101 : vector<16xf32>
        %add3A_103 = arith.constant 5.000000e-01 : f32
        %add3A_104 = vector.broadcast %add3A_103 : f32 to vector<16xf32>
        %add3A_105 = arith.addf %mul3A_102, %add3A_104 : vector<16xf32>
        %mul3A_106 = arith.constant 5.120000e+02 : f32
        %mul3A_107 = vector.broadcast %mul3A_106 : f32 to vector<16xf32>
        %mul3A_108 = arith.mulf %add3A_105, %mul3A_107 : vector<16xf32>
        %convert_element_type3A = arith.fptosi %mul3A_81 : vector<16xf32> to vector<16xi32>
        %jit3A = arith.constant 0 : i32
        %jit3A_109 = arith.constant 511 : i32
        %max3A = vector.broadcast %jit3A : i32 to vector<16xi32>
        %max3A_110 = arith.maxsi %max3A, %convert_element_type3A : vector<16xi32>
        %min3A = vector.broadcast %jit3A_109 : i32 to vector<16xi32>
        %min3A_111 = arith.minsi %min3A, %max3A_110 : vector<16xi32>
        %convert_element_type3A_112 = arith.fptosi %mul3A_90 : vector<16xf32> to vector<16xi32>
        %jit3A_113 = arith.constant 0 : i32
        %jit3A_114 = arith.constant 511 : i32
        %max3A_115 = vector.broadcast %jit3A_113 : i32 to vector<16xi32>
        %max3A_116 = arith.maxsi %max3A_115, %convert_element_type3A_112 : vector<16xi32>
        %min3A_117 = vector.broadcast %jit3A_114 : i32 to vector<16xi32>
        %min3A_118 = arith.minsi %min3A_117, %max3A_116 : vector<16xi32>
        %convert_element_type3A_119 = arith.fptosi %mul3A_99 : vector<16xf32> to vector<16xi32>
        %jit3A_120 = arith.constant 0 : i32
        %jit3A_121 = arith.constant 511 : i32
        %max3A_122 = vector.broadcast %jit3A_120 : i32 to vector<16xi32>
        %max3A_123 = arith.maxsi %max3A_122, %convert_element_type3A_119 : vector<16xi32>
        %min3A_124 = vector.broadcast %jit3A_121 : i32 to vector<16xi32>
        %min3A_125 = arith.minsi %min3A_124, %max3A_123 : vector<16xi32>
        %convert_element_type3A_126 = arith.fptosi %mul3A_108 : vector<16xf32> to vector<16xi32>
        %jit3A_127 = arith.constant 0 : i32
        %jit3A_128 = arith.constant 511 : i32
        %max3A_129 = vector.broadcast %jit3A_127 : i32 to vector<16xi32>
        %max3A_130 = arith.maxsi %max3A_129, %convert_element_type3A_126 : vector<16xi32>
        %min3A_131 = vector.broadcast %jit3A_128 : i32 to vector<16xi32>
        %min3A_132 = arith.minsi %min3A_131, %max3A_130 : vector<16xi32>
        %mul3A_133 = arith.constant 512 : i32
        %mul3A_134 = vector.broadcast %mul3A_133 : i32 to vector<16xi32>
        %mul3A_135 = arith.muli %min3A_111, %mul3A_134 : vector<16xi32>
        %add3A_136 = arith.addi %mul3A_135, %min3A_118 : vector<16xi32>
        %swap3A = arith.index_cast %add3A_64 : i32 to index
        %swap3A_137 = tpu.vector_load %arg12[%swap3A] {strides = array<i32>} : memref<4096xi32, #tpu.memory_space<vmem>>, vector<16xi32>,
        %swap3A_138 = vector.shape_cast %swap3A_137 : vector<16xi32> to vector<16xi32>
        %swap3A_139 = vector.shape_cast %add3A_136 : vector<16xi32> to vector<16xi32>
        tpu.vector_store %arg12[%swap3A], %swap3A_139 {strides = array<i32>} : memref<4096xi32, #tpu.memory_space<vmem>>, vector<16xi32>,
        %mul3A_140 = arith.constant 512 : i32
        %mul3A_141 = vector.broadcast %mul3A_140 : i32 to vector<16xi32>
        %mul3A_142 = arith.muli %min3A_125, %mul3A_141 : vector<16xi32>
        %add3A_143 = arith.addi %mul3A_142, %min3A_132 : vector<16xi32>
        %swap3A_144 = arith.index_cast %add3A_64 : i32 to index
        %swap3A_145 = tpu.vector_load %arg13[%swap3A_144] {strides = array<i32>} : memref<4096xi32, #tpu.memory_space<vmem>>, vector<16xi32>,
        %swap3A_146 = vector.shape_cast %swap3A_145 : vector<16xi32> to vector<16xi32>
        %swap3A_147 = vector.shape_cast %add3A_143 : vector<16xi32> to vector<16xi32>
        tpu.vector_store %arg13[%swap3A_144], %swap3A_147 {strides = array<i32>} : memref<4096xi32, #tpu.memory_space<vmem>>, vector<16xi32>,
      }
      %scan3A_27 = arith.constant 256 : i32
      %dma_start3A_28 = arith.constant 0 : i32
      %dma_start3A_29 = tpu.memref_slice %arg12[%dma_start3A_28] : memref<4096xi32, #tpu.memory_space<vmem>> -> memref<128xi32, #tpu.memory_space<vmem>>
      %dma_start3A_30 = arith.constant 0 : i32
      %dma_start3A_31 = arith.constant 0 : i32
      %dma_start3A_32 = tpu.memref_slice %arg5[%dma_start3A_30, %dma_start3A_31] : memref<262144x96xf32, #tpu.memory_space<hbm>> -> memref<262144x96xf32, #tpu.memory_space<hbm>>
      tpu.enqueue_indirect_dma source(%dma_start3A_32 : memref<262144x96xf32, #tpu.memory_space<hbm>>) target(%arg14 : memref<128x96xf32, #tpu.memory_space<vmem>>) offsets(%dma_start3A_29 : memref<128xi32, #tpu.memory_space<vmem>>) semaphore(%arg22 : memref<!tpu.dma_semaphore, #tpu.memory_space<semaphore_mem>>)
      %dma_start3A_33 = arith.constant 0 : i32
      %dma_start3A_34 = tpu.memref_slice %arg13[%dma_start3A_33] : memref<4096xi32, #tpu.memory_space<vmem>> -> memref<128xi32, #tpu.memory_space<vmem>>
      %dma_start3A_35 = arith.constant 0 : i32
      %dma_start3A_36 = arith.constant 0 : i32
      %dma_start3A_37 = tpu.memref_slice %arg6[%dma_start3A_35, %dma_start3A_36] : memref<262144x96xf32, #tpu.memory_space<hbm>> -> memref<262144x96xf32, #tpu.memory_space<hbm>>
      tpu.enqueue_indirect_dma source(%dma_start3A_37 : memref<262144x96xf32, #tpu.memory_space<hbm>>) target(%arg15 : memref<128x96xf32, #tpu.memory_space<vmem>>) offsets(%dma_start3A_34 : memref<128xi32, #tpu.memory_space<vmem>>) semaphore(%arg22 : memref<!tpu.dma_semaphore, #tpu.memory_space<semaphore_mem>>)
      %dma_start3A_38 = arith.constant 0 : i32
      %dma_start3A_39 = tpu.memref_slice %arg13[%dma_start3A_38] : memref<4096xi32, #tpu.memory_space<vmem>> -> memref<128xi32, #tpu.memory_space<vmem>>
      %dma_start3A_40 = arith.constant 0 : i32
      %dma_start3A_41 = arith.constant 0 : i32
      %dma_start3A_42 = tpu.memref_slice %arg7[%dma_start3A_40, %dma_start3A_41] : memref<262144x96xf32, #tpu.memory_space<hbm>> -> memref<262144x96xf32, #tpu.memory_space<hbm>>
      tpu.enqueue_indirect_dma source(%dma_start3A_42 : memref<262144x96xf32, #tpu.memory_space<hbm>>) target(%arg16 : memref<128x96xf32, #tpu.memory_space<vmem>>) offsets(%dma_start3A_39 : memref<128xi32, #tpu.memory_space<vmem>>) semaphore(%arg22 : memref<!tpu.dma_semaphore, #tpu.memory_space<semaphore_mem>>)
      %scan3A_43 = arith.constant 0 : i32
      %scan3A_44 = arith.constant 16 : i32
      %scan3A_45 = arith.addi %scan3A_43, %scan3A_44 : i32
      %scan3A_46 = arith.constant 1 : i32
      scf.for %scan3A_60 = %scan3A_43 to %scan3A_45 step %scan3A_46  : i32 {
        %mul3A_61 = arith.constant 2 : i32
        %mul3A_62 = arith.muli %scan3A_60, %mul3A_61 : i32
        %add3A_63 = arith.constant 0 : i32
        %add3A_64 = arith.addi %add3A_63, %mul3A_62 : i32
        %add3A_65 = arith.constant 0 : i32
        %add3A_66 = arith.addi %add3A_64, %add3A_65 : i32
        %add3A_67 = arith.constant 1 : i32
        %add3A_68 = arith.addi %add3A_66, %add3A_67 : i32
        %lt3A = arith.constant 32 : i32
        %lt3A_69 = arith.cmpi slt, %add3A_68, %lt3A : i32
        %convert_element_type3A = arith.extui %lt3A_69 : i1 to i32
        %cond3A = arith.constant 0 : i32
        %cond3A_70 = arith.cmpi ne, %convert_element_type3A, %cond3A : i32
        scf.if %cond3A_70 {
          %add3A_143 = arith.constant 1 : i32
          %add3A_144 = arith.addi %add3A_66, %add3A_143 : i32
          %mul3A_145 = arith.constant 128 : i32
          %mul3A_146 = arith.muli %add3A_144, %mul3A_145 : i32
          %dma_start3A_147 = tpu.memref_slice %arg12[%mul3A_146] : memref<4096xi32, #tpu.memory_space<vmem>> -> memref<128xi32, #tpu.memory_space<vmem>>
          %dma_start3A_148 = arith.constant 0 : i32
          %dma_start3A_149 = arith.constant 0 : i32
          %dma_start3A_150 = tpu.memref_slice %arg5[%dma_start3A_148, %dma_start3A_149] : memref<262144x96xf32, #tpu.memory_space<hbm>> -> memref<262144x96xf32, #tpu.memory_space<hbm>>
          tpu.enqueue_indirect_dma source(%dma_start3A_150 : memref<262144x96xf32, #tpu.memory_space<hbm>>) target(%arg17 : memref<128x96xf32, #tpu.memory_space<vmem>>) offsets(%dma_start3A_147 : memref<128xi32, #tpu.memory_space<vmem>>) semaphore(%arg22 : memref<!tpu.dma_semaphore, #tpu.memory_space<semaphore_mem>>)
          %dma_start3A_151 = tpu.memref_slice %arg13[%mul3A_146] : memref<4096xi32, #tpu.memory_space<vmem>> -> memref<128xi32, #tpu.memory_space<vmem>>
          %dma_start3A_152 = arith.constant 0 : i32
          %dma_start3A_153 = arith.constant 0 : i32
          %dma_start3A_154 = tpu.memref_slice %arg6[%dma_start3A_152, %dma_start3A_153] : memref<262144x96xf32, #tpu.memory_space<hbm>> -> memref<262144x96xf32, #tpu.memory_space<hbm>>
          tpu.enqueue_indirect_dma source(%dma_start3A_154 : memref<262144x96xf32, #tpu.memory_space<hbm>>) target(%arg18 : memref<128x96xf32, #tpu.memory_space<vmem>>) offsets(%dma_start3A_151 : memref<128xi32, #tpu.memory_space<vmem>>) semaphore(%arg22 : memref<!tpu.dma_semaphore, #tpu.memory_space<semaphore_mem>>)
          %dma_start3A_155 = tpu.memref_slice %arg13[%mul3A_146] : memref<4096xi32, #tpu.memory_space<vmem>> -> memref<128xi32, #tpu.memory_space<vmem>>
          %dma_start3A_156 = arith.constant 0 : i32
          %dma_start3A_157 = arith.constant 0 : i32
          %dma_start3A_158 = tpu.memref_slice %arg7[%dma_start3A_156, %dma_start3A_157] : memref<262144x96xf32, #tpu.memory_space<hbm>> -> memref<262144x96xf32, #tpu.memory_space<hbm>>
          tpu.enqueue_indirect_dma source(%dma_start3A_158 : memref<262144x96xf32, #tpu.memory_space<hbm>>) target(%arg19 : memref<128x96xf32, #tpu.memory_space<vmem>>) offsets(%dma_start3A_155 : memref<128xi32, #tpu.memory_space<vmem>>) semaphore(%arg22 : memref<!tpu.dma_semaphore, #tpu.memory_space<semaphore_mem>>)
        } else {
        }
        %dma_wait3A_71 = arith.constant 0 : i32
        %dma_wait3A_72 = tpu.memref_slice %arg12[%dma_wait3A_71] : memref<4096xi32, #tpu.memory_space<vmem>> -> memref<128xi32, #tpu.memory_space<vmem>>
        %dma_wait3A_73 = arith.constant 0 : i32
        %dma_wait3A_74 = arith.constant 0 : i32
        %dma_wait3A_75 = tpu.memref_slice %arg5[%dma_wait3A_73, %dma_wait3A_74] : memref<262144x96xf32, #tpu.memory_space<hbm>> -> memref<262144x96xf32, #tpu.memory_space<hbm>>
        tpu.wait_indirect_dma semaphore(%arg22 : memref<!tpu.dma_semaphore, #tpu.memory_space<semaphore_mem>>) src(%dma_wait3A_75 : memref<262144x96xf32, #tpu.memory_space<hbm>>) dst(%arg14 : memref<128x96xf32, #tpu.memory_space<vmem>>)
        %dma_wait3A_76 = arith.constant 0 : i32
        %dma_wait3A_77 = tpu.memref_slice %arg13[%dma_wait3A_76] : memref<4096xi32, #tpu.memory_space<vmem>> -> memref<128xi32, #tpu.memory_space<vmem>>
        %dma_wait3A_78 = arith.constant 0 : i32
        %dma_wait3A_79 = arith.constant 0 : i32
        %dma_wait3A_80 = tpu.memref_slice %arg6[%dma_wait3A_78, %dma_wait3A_79] : memref<262144x96xf32, #tpu.memory_space<hbm>> -> memref<262144x96xf32, #tpu.memory_space<hbm>>
        tpu.wait_indirect_dma semaphore(%arg22 : memref<!tpu.dma_semaphore, #tpu.memory_space<semaphore_mem>>) src(%dma_wait3A_80 : memref<262144x96xf32, #tpu.memory_space<hbm>>) dst(%arg15 : memref<128x96xf32, #tpu.memory_space<vmem>>)
        %dma_wait3A_81 = arith.constant 0 : i32
        %dma_wait3A_82 = tpu.memref_slice %arg13[%dma_wait3A_81] : memref<4096xi32, #tpu.memory_space<vmem>> -> memref<128xi32, #tpu.memory_space<vmem>>
        %dma_wait3A_83 = arith.constant 0 : i32
        %dma_wait3A_84 = arith.constant 0 : i32
        %dma_wait3A_85 = tpu.memref_slice %arg7[%dma_wait3A_83, %dma_wait3A_84] : memref<262144x96xf32, #tpu.memory_space<hbm>> -> memref<262144x96xf32, #tpu.memory_space<hbm>>
        tpu.wait_indirect_dma semaphore(%arg22 : memref<!tpu.dma_semaphore, #tpu.memory_space<semaphore_mem>>) src(%dma_wait3A_85 : memref<262144x96xf32, #tpu.memory_space<hbm>>) dst(%arg16 : memref<128x96xf32, #tpu.memory_space<vmem>>)
        %ge3A = arith.constant 2 : i32
        %ge3A_86 = arith.cmpi sge, %add3A_66, %ge3A : i32
        %convert_element_type3A_87 = arith.extui %ge3A_86 : i1 to i32
        %cond3A_88 = arith.constant 0 : i32
        %cond3A_89 = arith.cmpi ne, %convert_element_type3A_87, %cond3A_88 : i32
        scf.if %cond3A_89 {
          %dma_wait3A_143 = arith.constant 0 : i32
          %dma_wait3A_144 = arith.constant 0 : i32
          %dma_wait3A_145 = tpu.memref_slice %arg8[%dma_wait3A_143, %dma_wait3A_144] : memref<524288x96xf32, #tpu.memory_space<hbm>> -> memref<128x96xf32, #tpu.memory_space<hbm>>
          %dma_wait3A_146 = arith.constant 0 : i32
          %dma_wait3A_147 = arith.constant 0 : i32
          %dma_wait3A_148 = tpu.memref_slice %arg8[%dma_wait3A_146, %dma_wait3A_147] : memref<524288x96xf32, #tpu.memory_space<hbm>> -> memref<128x96xf32, #tpu.memory_space<hbm>>
          tpu.wait_dma2 semaphore(%arg23 : memref<!tpu.dma_semaphore, #tpu.memory_space<semaphore_mem>>) src(%arg20 : memref<128x96xf32, #tpu.memory_space<vmem>>) dst(%dma_wait3A_148 : memref<128x96xf32, #tpu.memory_space<hbm>>)
        } else {
        }
        %scan3A_90 = arith.constant 0 : i32
        %scan3A_91 = arith.constant 128 : i32
        %scan3A_92 = arith.addi %scan3A_90, %scan3A_91 : i32
        %scan3A_93 = arith.constant 1 : i32
        scf.for %scan3A_143 = %scan3A_90 to %scan3A_92 step %scan3A_93  : i32 {
          %mul3A_144 = arith.constant 1 : i32
          %mul3A_145 = arith.muli %scan3A_143, %mul3A_144 : i32
          %add3A_146 = arith.constant 0 : i32
          %add3A_147 = arith.addi %add3A_146, %mul3A_145 : i32
          %get3A = arith.constant 0 : i32
          %get3A_148 = tpu.memref_slice %arg14[%add3A_147, %get3A] : memref<128x96xf32, #tpu.memory_space<vmem>> -> memref<1x96xf32, #tpu.memory_space<vmem>>
          %get3A_149 = tpu.memref_squeeze %get3A_148 : memref<1x96xf32, #tpu.memory_space<vmem>> -> memref<96xf32, #tpu.memory_space<vmem>>
          %get3A_150 = arith.constant 0 : index
          %get3A_151 = tpu.vector_load %get3A_149[%get3A_150] {strides = array<i32>} : memref<96xf32, #tpu.memory_space<vmem>>, vector<16xf32>,
          %get3A_152 = vector.shape_cast %get3A_151 : vector<16xf32> to vector<16xf32>
          %get3A_153 = arith.constant 0 : i32
          %get3A_154 = tpu.memref_slice %arg15[%add3A_147, %get3A_153] : memref<128x96xf32, #tpu.memory_space<vmem>> -> memref<1x96xf32, #tpu.memory_space<vmem>>
          %get3A_155 = tpu.memref_squeeze %get3A_154 : memref<1x96xf32, #tpu.memory_space<vmem>> -> memref<96xf32, #tpu.memory_space<vmem>>
          %get3A_156 = arith.constant 0 : index
          %get3A_157 = tpu.vector_load %get3A_155[%get3A_156] {strides = array<i32>} : memref<96xf32, #tpu.memory_space<vmem>>, vector<16xf32>,
          %get3A_158 = vector.shape_cast %get3A_157 : vector<16xf32> to vector<16xf32>
          %mul3A_159 = arith.mulf %get3A_152, %get3A_158 : vector<16xf32>
          %get3A_160 = arith.constant 0 : i32
          %get3A_161 = tpu.memref_slice %arg16[%add3A_147, %get3A_160] : memref<128x96xf32, #tpu.memory_space<vmem>> -> memref<1x96xf32, #tpu.memory_space<vmem>>
          %get3A_162 = tpu.memref_squeeze %get3A_161 : memref<1x96xf32, #tpu.memory_space<vmem>> -> memref<96xf32, #tpu.memory_space<vmem>>
          %get3A_163 = arith.constant 0 : index
          %get3A_164 = tpu.vector_load %get3A_162[%get3A_163] {strides = array<i32>} : memref<96xf32, #tpu.memory_space<vmem>>, vector<16xf32>,
          %get3A_165 = vector.shape_cast %get3A_164 : vector<16xf32> to vector<16xf32>
          %mul3A_166 = arith.mulf %mul3A_159, %get3A_165 : vector<16xf32>
          %swap3A = arith.constant 0 : i32
          %swap3A_167 = tpu.memref_slice %arg20[%add3A_147, %swap3A] : memref<128x96xf32, #tpu.memory_space<vmem>> -> memref<1x96xf32, #tpu.memory_space<vmem>>
          %swap3A_168 = tpu.memref_squeeze %swap3A_167 : memref<1x96xf32, #tpu.memory_space<vmem>> -> memref<96xf32, #tpu.memory_space<vmem>>
          %swap3A_169 = arith.constant 0 : index
          %swap3A_170 = tpu.vector_load %swap3A_168[%swap3A_169] {strides = array<i32>} : memref<96xf32, #tpu.memory_space<vmem>>, vector<16xf32>,
          %swap3A_171 = vector.shape_cast %swap3A_170 : vector<16xf32> to vector<16xf32>
          %swap3A_172 = vector.shape_cast %mul3A_166 : vector<16xf32> to vector<16xf32>
          tpu.vector_store %swap3A_168[%swap3A_169], %swap3A_172 {strides = array<i32>} : memref<96xf32, #tpu.memory_space<vmem>>, vector<16xf32>,
          %get3A_173 = arith.constant 0 : i32
          %get3A_174 = tpu.memref_slice %arg14[%add3A_147, %get3A_173] : memref<128x96xf32, #tpu.memory_space<vmem>> -> memref<1x96xf32, #tpu.memory_space<vmem>>
          %get3A_175 = tpu.memref_squeeze %get3A_174 : memref<1x96xf32, #tpu.memory_space<vmem>> -> memref<96xf32, #tpu.memory_space<vmem>>
          %get3A_176 = arith.constant 16 : index
          %get3A_177 = tpu.vector_load %get3A_175[%get3A_176] {strides = array<i32>} : memref<96xf32, #tpu.memory_space<vmem>>, vector<16xf32>,
          %get3A_178 = vector.shape_cast %get3A_177 : vector<16xf32> to vector<16xf32>
          %get3A_179 = arith.constant 0 : i32
          %get3A_180 = tpu.memref_slice %arg15[%add3A_147, %get3A_179] : memref<128x96xf32, #tpu.memory_space<vmem>> -> memref<1x96xf32, #tpu.memory_space<vmem>>
          %get3A_181 = tpu.memref_squeeze %get3A_180 : memref<1x96xf32, #tpu.memory_space<vmem>> -> memref<96xf32, #tpu.memory_space<vmem>>
          %get3A_182 = arith.constant 16 : index
          %get3A_183 = tpu.vector_load %get3A_181[%get3A_182] {strides = array<i32>} : memref<96xf32, #tpu.memory_space<vmem>>, vector<16xf32>,
          %get3A_184 = vector.shape_cast %get3A_183 : vector<16xf32> to vector<16xf32>
          %mul3A_185 = arith.mulf %get3A_178, %get3A_184 : vector<16xf32>
          %get3A_186 = arith.constant 0 : i32
          %get3A_187 = tpu.memref_slice %arg16[%add3A_147, %get3A_186] : memref<128x96xf32, #tpu.memory_space<vmem>> -> memref<1x96xf32, #tpu.memory_space<vmem>>
          %get3A_188 = tpu.memref_squeeze %get3A_187 : memref<1x96xf32, #tpu.memory_space<vmem>> -> memref<96xf32, #tpu.memory_space<vmem>>
          %get3A_189 = arith.constant 16 : index
          %get3A_190 = tpu.vector_load %get3A_188[%get3A_189] {strides = array<i32>} : memref<96xf32, #tpu.memory_space<vmem>>, vector<16xf32>,
          %get3A_191 = vector.shape_cast %get3A_190 : vector<16xf32> to vector<16xf32>
          %mul3A_192 = arith.mulf %mul3A_185, %get3A_191 : vector<16xf32>
          %swap3A_193 = arith.constant 0 : i32
          %swap3A_194 = tpu.memref_slice %arg20[%add3A_147, %swap3A_193] : memref<128x96xf32, #tpu.memory_space<vmem>> -> memref<1x96xf32, #tpu.memory_space<vmem>>
          %swap3A_195 = tpu.memref_squeeze %swap3A_194 : memref<1x96xf32, #tpu.memory_space<vmem>> -> memref<96xf32, #tpu.memory_space<vmem>>
          %swap3A_196 = arith.constant 16 : index
          %swap3A_197 = tpu.vector_load %swap3A_195[%swap3A_196] {strides = array<i32>} : memref<96xf32, #tpu.memory_space<vmem>>, vector<16xf32>,
          %swap3A_198 = vector.shape_cast %swap3A_197 : vector<16xf32> to vector<16xf32>
          %swap3A_199 = vector.shape_cast %mul3A_192 : vector<16xf32> to vector<16xf32>
          tpu.vector_store %swap3A_195[%swap3A_196], %swap3A_199 {strides = array<i32>} : memref<96xf32, #tpu.memory_space<vmem>>, vector<16xf32>,
          %get3A_200 = arith.constant 0 : i32
          %get3A_201 = tpu.memref_slice %arg14[%add3A_147, %get3A_200] : memref<128x96xf32, #tpu.memory_space<vmem>> -> memref<1x96xf32, #tpu.memory_space<vmem>>
          %get3A_202 = tpu.memref_squeeze %get3A_201 : memref<1x96xf32, #tpu.memory_space<vmem>> -> memref<96xf32, #tpu.memory_space<vmem>>
          %get3A_203 = arith.constant 32 : index
          %get3A_204 = tpu.vector_load %get3A_202[%get3A_203] {strides = array<i32>} : memref<96xf32, #tpu.memory_space<vmem>>, vector<16xf32>,
          %get3A_205 = vector.shape_cast %get3A_204 : vector<16xf32> to vector<16xf32>
          %get3A_206 = arith.constant 0 : i32
          %get3A_207 = tpu.memref_slice %arg15[%add3A_147, %get3A_206] : memref<128x96xf32, #tpu.memory_space<vmem>> -> memref<1x96xf32, #tpu.memory_space<vmem>>
          %get3A_208 = tpu.memref_squeeze %get3A_207 : memref<1x96xf32, #tpu.memory_space<vmem>> -> memref<96xf32, #tpu.memory_space<vmem>>
          %get3A_209 = arith.constant 32 : index
          %get3A_210 = tpu.vector_load %get3A_208[%get3A_209] {strides = array<i32>} : memref<96xf32, #tpu.memory_space<vmem>>, vector<16xf32>,
          %get3A_211 = vector.shape_cast %get3A_210 : vector<16xf32> to vector<16xf32>
          %mul3A_212 = arith.mulf %get3A_205, %get3A_211 : vector<16xf32>
          %get3A_213 = arith.constant 0 : i32
          %get3A_214 = tpu.memref_slice %arg16[%add3A_147, %get3A_213] : memref<128x96xf32, #tpu.memory_space<vmem>> -> memref<1x96xf32, #tpu.memory_space<vmem>>
          %get3A_215 = tpu.memref_squeeze %get3A_214 : memref<1x96xf32, #tpu.memory_space<vmem>> -> memref<96xf32, #tpu.memory_space<vmem>>
          %get3A_216 = arith.constant 32 : index
          %get3A_217 = tpu.vector_load %get3A_215[%get3A_216] {strides = array<i32>} : memref<96xf32, #tpu.memory_space<vmem>>, vector<16xf32>,
          %get3A_218 = vector.shape_cast %get3A_217 : vector<16xf32> to vector<16xf32>
          %mul3A_219 = arith.mulf %mul3A_212, %get3A_218 : vector<16xf32>
          %swap3A_220 = arith.constant 0 : i32
          %swap3A_221 = tpu.memref_slice %arg20[%add3A_147, %swap3A_220] : memref<128x96xf32, #tpu.memory_space<vmem>> -> memref<1x96xf32, #tpu.memory_space<vmem>>
          %swap3A_222 = tpu.memref_squeeze %swap3A_221 : memref<1x96xf32, #tpu.memory_space<vmem>> -> memref<96xf32, #tpu.memory_space<vmem>>
          %swap3A_223 = arith.constant 32 : index
          %swap3A_224 = tpu.vector_load %swap3A_222[%swap3A_223] {strides = array<i32>} : memref<96xf32, #tpu.memory_space<vmem>>, vector<16xf32>,
          %swap3A_225 = vector.shape_cast %swap3A_224 : vector<16xf32> to vector<16xf32>
          %swap3A_226 = vector.shape_cast %mul3A_219 : vector<16xf32> to vector<16xf32>
          tpu.vector_store %swap3A_222[%swap3A_223], %swap3A_226 {strides = array<i32>} : memref<96xf32, #tpu.memory_space<vmem>>, vector<16xf32>,
          %get3A_227 = arith.constant 0 : i32
          %get3A_228 = tpu.memref_slice %arg14[%add3A_147, %get3A_227] : memref<128x96xf32, #tpu.memory_space<vmem>> -> memref<1x96xf32, #tpu.memory_space<vmem>>
          %get3A_229 = tpu.memref_squeeze %get3A_228 : memref<1x96xf32, #tpu.memory_space<vmem>> -> memref<96xf32, #tpu.memory_space<vmem>>
          %get3A_230 = arith.constant 48 : index
          %get3A_231 = tpu.vector_load %get3A_229[%get3A_230] {strides = array<i32>} : memref<96xf32, #tpu.memory_space<vmem>>, vector<16xf32>,
          %get3A_232 = vector.shape_cast %get3A_231 : vector<16xf32> to vector<16xf32>
          %get3A_233 = arith.constant 0 : i32
          %get3A_234 = tpu.memref_slice %arg15[%add3A_147, %get3A_233] : memref<128x96xf32, #tpu.memory_space<vmem>> -> memref<1x96xf32, #tpu.memory_space<vmem>>
          %get3A_235 = tpu.memref_squeeze %get3A_234 : memref<1x96xf32, #tpu.memory_space<vmem>> -> memref<96xf32, #tpu.memory_space<vmem>>
          %get3A_236 = arith.constant 48 : index
          %get3A_237 = tpu.vector_load %get3A_235[%get3A_236] {strides = array<i32>} : memref<96xf32, #tpu.memory_space<vmem>>, vector<16xf32>,
          %get3A_238 = vector.shape_cast %get3A_237 : vector<16xf32> to vector<16xf32>
          %mul3A_239 = arith.mulf %get3A_232, %get3A_238 : vector<16xf32>
          %get3A_240 = arith.constant 0 : i32
          %get3A_241 = tpu.memref_slice %arg16[%add3A_147, %get3A_240] : memref<128x96xf32, #tpu.memory_space<vmem>> -> memref<1x96xf32, #tpu.memory_space<vmem>>
          %get3A_242 = tpu.memref_squeeze %get3A_241 : memref<1x96xf32, #tpu.memory_space<vmem>> -> memref<96xf32, #tpu.memory_space<vmem>>
          %get3A_243 = arith.constant 48 : index
          %get3A_244 = tpu.vector_load %get3A_242[%get3A_243] {strides = array<i32>} : memref<96xf32, #tpu.memory_space<vmem>>, vector<16xf32>,
          %get3A_245 = vector.shape_cast %get3A_244 : vector<16xf32> to vector<16xf32>
          %mul3A_246 = arith.mulf %mul3A_239, %get3A_245 : vector<16xf32>
          %swap3A_247 = arith.constant 0 : i32
          %swap3A_248 = tpu.memref_slice %arg20[%add3A_147, %swap3A_247] : memref<128x96xf32, #tpu.memory_space<vmem>> -> memref<1x96xf32, #tpu.memory_space<vmem>>
          %swap3A_249 = tpu.memref_squeeze %swap3A_248 : memref<1x96xf32, #tpu.memory_space<vmem>> -> memref<96xf32, #tpu.memory_space<vmem>>
          %swap3A_250 = arith.constant 48 : index
          %swap3A_251 = tpu.vector_load %swap3A_249[%swap3A_250] {strides = array<i32>} : memref<96xf32, #tpu.memory_space<vmem>>, vector<16xf32>,
          %swap3A_252 = vector.shape_cast %swap3A_251 : vector<16xf32> to vector<16xf32>
          %swap3A_253 = vector.shape_cast %mul3A_246 : vector<16xf32> to vector<16xf32>
          tpu.vector_store %swap3A_249[%swap3A_250], %swap3A_253 {strides = array<i32>} : memref<96xf32, #tpu.memory_space<vmem>>, vector<16xf32>,
          %get3A_254 = arith.constant 0 : i32
          %get3A_255 = tpu.memref_slice %arg14[%add3A_147, %get3A_254] : memref<128x96xf32, #tpu.memory_space<vmem>> -> memref<1x96xf32, #tpu.memory_space<vmem>>
          %get3A_256 = tpu.memref_squeeze %get3A_255 : memref<1x96xf32, #tpu.memory_space<vmem>> -> memref<96xf32, #tpu.memory_space<vmem>>
          %get3A_257 = arith.constant 64 : index
          %get3A_258 = tpu.vector_load %get3A_256[%get3A_257] {strides = array<i32>} : memref<96xf32, #tpu.memory_space<vmem>>, vector<16xf32>,
          %get3A_259 = vector.shape_cast %get3A_258 : vector<16xf32> to vector<16xf32>
          %get3A_260 = arith.constant 0 : i32
          %get3A_261 = tpu.memref_slice %arg15[%add3A_147, %get3A_260] : memref<128x96xf32, #tpu.memory_space<vmem>> -> memref<1x96xf32, #tpu.memory_space<vmem>>
          %get3A_262 = tpu.memref_squeeze %get3A_261 : memref<1x96xf32, #tpu.memory_space<vmem>> -> memref<96xf32, #tpu.memory_space<vmem>>
          %get3A_263 = arith.constant 64 : index
          %get3A_264 = tpu.vector_load %get3A_262[%get3A_263] {strides = array<i32>} : memref<96xf32, #tpu.memory_space<vmem>>, vector<16xf32>,
          %get3A_265 = vector.shape_cast %get3A_264 : vector<16xf32> to vector<16xf32>
          %mul3A_266 = arith.mulf %get3A_259, %get3A_265 : vector<16xf32>
          %get3A_267 = arith.constant 0 : i32
          %get3A_268 = tpu.memref_slice %arg16[%add3A_147, %get3A_267] : memref<128x96xf32, #tpu.memory_space<vmem>> -> memref<1x96xf32, #tpu.memory_space<vmem>>
          %get3A_269 = tpu.memref_squeeze %get3A_268 : memref<1x96xf32, #tpu.memory_space<vmem>> -> memref<96xf32, #tpu.memory_space<vmem>>
          %get3A_270 = arith.constant 64 : index
          %get3A_271 = tpu.vector_load %get3A_269[%get3A_270] {strides = array<i32>} : memref<96xf32, #tpu.memory_space<vmem>>, vector<16xf32>,
          %get3A_272 = vector.shape_cast %get3A_271 : vector<16xf32> to vector<16xf32>
          %mul3A_273 = arith.mulf %mul3A_266, %get3A_272 : vector<16xf32>
          %swap3A_274 = arith.constant 0 : i32
          %swap3A_275 = tpu.memref_slice %arg20[%add3A_147, %swap3A_274] : memref<128x96xf32, #tpu.memory_space<vmem>> -> memref<1x96xf32, #tpu.memory_space<vmem>>
          %swap3A_276 = tpu.memref_squeeze %swap3A_275 : memref<1x96xf32, #tpu.memory_space<vmem>> -> memref<96xf32, #tpu.memory_space<vmem>>
          %swap3A_277 = arith.constant 64 : index
          %swap3A_278 = tpu.vector_load %swap3A_276[%swap3A_277] {strides = array<i32>} : memref<96xf32, #tpu.memory_space<vmem>>, vector<16xf32>,
          %swap3A_279 = vector.shape_cast %swap3A_278 : vector<16xf32> to vector<16xf32>
          %swap3A_280 = vector.shape_cast %mul3A_273 : vector<16xf32> to vector<16xf32>
          tpu.vector_store %swap3A_276[%swap3A_277], %swap3A_280 {strides = array<i32>} : memref<96xf32, #tpu.memory_space<vmem>>, vector<16xf32>,
          %get3A_281 = arith.constant 0 : i32
          %get3A_282 = tpu.memref_slice %arg14[%add3A_147, %get3A_281] : memref<128x96xf32, #tpu.memory_space<vmem>> -> memref<1x96xf32, #tpu.memory_space<vmem>>
          %get3A_283 = tpu.memref_squeeze %get3A_282 : memref<1x96xf32, #tpu.memory_space<vmem>> -> memref<96xf32, #tpu.memory_space<vmem>>
          %get3A_284 = arith.constant 80 : index
          %get3A_285 = tpu.vector_load %get3A_283[%get3A_284] {strides = array<i32>} : memref<96xf32, #tpu.memory_space<vmem>>, vector<16xf32>,
          %get3A_286 = vector.shape_cast %get3A_285 : vector<16xf32> to vector<16xf32>
          %get3A_287 = arith.constant 0 : i32
          %get3A_288 = tpu.memref_slice %arg15[%add3A_147, %get3A_287] : memref<128x96xf32, #tpu.memory_space<vmem>> -> memref<1x96xf32, #tpu.memory_space<vmem>>
          %get3A_289 = tpu.memref_squeeze %get3A_288 : memref<1x96xf32, #tpu.memory_space<vmem>> -> memref<96xf32, #tpu.memory_space<vmem>>
          %get3A_290 = arith.constant 80 : index
          %get3A_291 = tpu.vector_load %get3A_289[%get3A_290] {strides = array<i32>} : memref<96xf32, #tpu.memory_space<vmem>>, vector<16xf32>,
          %get3A_292 = vector.shape_cast %get3A_291 : vector<16xf32> to vector<16xf32>
          %mul3A_293 = arith.mulf %get3A_286, %get3A_292 : vector<16xf32>
          %get3A_294 = arith.constant 0 : i32
          %get3A_295 = tpu.memref_slice %arg16[%add3A_147, %get3A_294] : memref<128x96xf32, #tpu.memory_space<vmem>> -> memref<1x96xf32, #tpu.memory_space<vmem>>
          %get3A_296 = tpu.memref_squeeze %get3A_295 : memref<1x96xf32, #tpu.memory_space<vmem>> -> memref<96xf32, #tpu.memory_space<vmem>>
          %get3A_297 = arith.constant 80 : index
          %get3A_298 = tpu.vector_load %get3A_296[%get3A_297] {strides = array<i32>} : memref<96xf32, #tpu.memory_space<vmem>>, vector<16xf32>,
          %get3A_299 = vector.shape_cast %get3A_298 : vector<16xf32> to vector<16xf32>
          %mul3A_300 = arith.mulf %mul3A_293, %get3A_299 : vector<16xf32>
          %swap3A_301 = arith.constant 0 : i32
          %swap3A_302 = tpu.memref_slice %arg20[%add3A_147, %swap3A_301] : memref<128x96xf32, #tpu.memory_space<vmem>> -> memref<1x96xf32, #tpu.memory_space<vmem>>
          %swap3A_303 = tpu.memref_squeeze %swap3A_302 : memref<1x96xf32, #tpu.memory_space<vmem>> -> memref<96xf32, #tpu.memory_space<vmem>>
          %swap3A_304 = arith.constant 80 : index
          %swap3A_305 = tpu.vector_load %swap3A_303[%swap3A_304] {strides = array<i32>} : memref<96xf32, #tpu.memory_space<vmem>>, vector<16xf32>,
          %swap3A_306 = vector.shape_cast %swap3A_305 : vector<16xf32> to vector<16xf32>
          %swap3A_307 = vector.shape_cast %mul3A_300 : vector<16xf32> to vector<16xf32>
          tpu.vector_store %swap3A_303[%swap3A_304], %swap3A_307 {strides = array<i32>} : memref<96xf32, #tpu.memory_space<vmem>>, vector<16xf32>,
        }
        %scan3A_94 = arith.constant 128 : i32
        %mul3A_95 = arith.constant 128 : i32
        %mul3A_96 = arith.muli %add3A_66, %mul3A_95 : i32
        %add3A_97 = arith.addi %add3A_12, %mul3A_96 : i32
        %dma_start3A_98 = arith.constant 0 : i32
        %dma_start3A_99 = tpu.memref_slice %arg8[%add3A_97, %dma_start3A_98] : memref<524288x96xf32, #tpu.memory_space<hbm>> -> memref<128x96xf32, #tpu.memory_space<hbm>>
        %dma_start3A_100 = arith.constant 0 : i32
        %dma_start3A_101 = tpu.memref_slice %arg8[%add3A_97, %dma_start3A_100] : memref<524288x96xf32, #tpu.memory_space<hbm>> -> memref<128x96xf32, #tpu.memory_space<hbm>>
        tpu.enqueue_dma source(%arg20 : memref<128x96xf32, #tpu.memory_space<vmem>>) target(%dma_start3A_101 : memref<128x96xf32, #tpu.memory_space<hbm>>) target_semaphore(%arg23 : memref<!tpu.dma_semaphore, #tpu.memory_space<semaphore_mem>>)
        %add3A_102 = arith.constant 1 : i32
        %add3A_103 = arith.addi %add3A_64, %add3A_102 : i32
        %add3A_104 = arith.constant 1 : i32
        %add3A_105 = arith.addi %add3A_103, %add3A_104 : i32
        %lt3A_106 = arith.constant 32 : i32
        %lt3A_107 = arith.cmpi slt, %add3A_105, %lt3A_106 : i32
        %convert_element_type3A_108 = arith.extui %lt3A_107 : i1 to i32
        %cond3A_109 = arith.constant 0 : i32
        %cond3A_110 = arith.cmpi ne, %convert_element_type3A_108, %cond3A_109 : i32
        scf.if %cond3A_110 {
          %add3A_143 = arith.constant 1 : i32
          %add3A_144 = arith.addi %add3A_103, %add3A_143 : i32
          %mul3A_145 = arith.constant 128 : i32
          %mul3A_146 = arith.muli %add3A_144, %mul3A_145 : i32
          %dma_start3A_147 = tpu.memref_slice %arg12[%mul3A_146] : memref<4096xi32, #tpu.memory_space<vmem>> -> memref<128xi32, #tpu.memory_space<vmem>>
          %dma_start3A_148 = arith.constant 0 : i32
          %dma_start3A_149 = arith.constant 0 : i32
          %dma_start3A_150 = tpu.memref_slice %arg5[%dma_start3A_148, %dma_start3A_149] : memref<262144x96xf32, #tpu.memory_space<hbm>> -> memref<262144x96xf32, #tpu.memory_space<hbm>>
          tpu.enqueue_indirect_dma source(%dma_start3A_150 : memref<262144x96xf32, #tpu.memory_space<hbm>>) target(%arg14 : memref<128x96xf32, #tpu.memory_space<vmem>>) offsets(%dma_start3A_147 : memref<128xi32, #tpu.memory_space<vmem>>) semaphore(%arg22 : memref<!tpu.dma_semaphore, #tpu.memory_space<semaphore_mem>>)
          %dma_start3A_151 = tpu.memref_slice %arg13[%mul3A_146] : memref<4096xi32, #tpu.memory_space<vmem>> -> memref<128xi32, #tpu.memory_space<vmem>>
          %dma_start3A_152 = arith.constant 0 : i32
          %dma_start3A_153 = arith.constant 0 : i32
          %dma_start3A_154 = tpu.memref_slice %arg6[%dma_start3A_152, %dma_start3A_153] : memref<262144x96xf32, #tpu.memory_space<hbm>> -> memref<262144x96xf32, #tpu.memory_space<hbm>>
          tpu.enqueue_indirect_dma source(%dma_start3A_154 : memref<262144x96xf32, #tpu.memory_space<hbm>>) target(%arg15 : memref<128x96xf32, #tpu.memory_space<vmem>>) offsets(%dma_start3A_151 : memref<128xi32, #tpu.memory_space<vmem>>) semaphore(%arg22 : memref<!tpu.dma_semaphore, #tpu.memory_space<semaphore_mem>>)
          %dma_start3A_155 = tpu.memref_slice %arg13[%mul3A_146] : memref<4096xi32, #tpu.memory_space<vmem>> -> memref<128xi32, #tpu.memory_space<vmem>>
          %dma_start3A_156 = arith.constant 0 : i32
          %dma_start3A_157 = arith.constant 0 : i32
          %dma_start3A_158 = tpu.memref_slice %arg7[%dma_start3A_156, %dma_start3A_157] : memref<262144x96xf32, #tpu.memory_space<hbm>> -> memref<262144x96xf32, #tpu.memory_space<hbm>>
          tpu.enqueue_indirect_dma source(%dma_start3A_158 : memref<262144x96xf32, #tpu.memory_space<hbm>>) target(%arg16 : memref<128x96xf32, #tpu.memory_space<vmem>>) offsets(%dma_start3A_155 : memref<128xi32, #tpu.memory_space<vmem>>) semaphore(%arg22 : memref<!tpu.dma_semaphore, #tpu.memory_space<semaphore_mem>>)
        } else {
        }
        %dma_wait3A_111 = arith.constant 0 : i32
        %dma_wait3A_112 = tpu.memref_slice %arg12[%dma_wait3A_111] : memref<4096xi32, #tpu.memory_space<vmem>> -> memref<128xi32, #tpu.memory_space<vmem>>
        %dma_wait3A_113 = arith.constant 0 : i32
        %dma_wait3A_114 = arith.constant 0 : i32
        %dma_wait3A_115 = tpu.memref_slice %arg5[%dma_wait3A_113, %dma_wait3A_114] : memref<262144x96xf32, #tpu.memory_space<hbm>> -> memref<262144x96xf32, #tpu.memory_space<hbm>>
        tpu.wait_indirect_dma semaphore(%arg22 : memref<!tpu.dma_semaphore, #tpu.memory_space<semaphore_mem>>) src(%dma_wait3A_115 : memref<262144x96xf32, #tpu.memory_space<hbm>>) dst(%arg17 : memref<128x96xf32, #tpu.memory_space<vmem>>)
        %dma_wait3A_116 = arith.constant 0 : i32
        %dma_wait3A_117 = tpu.memref_slice %arg13[%dma_wait3A_116] : memref<4096xi32, #tpu.memory_space<vmem>> -> memref<128xi32, #tpu.memory_space<vmem>>
        %dma_wait3A_118 = arith.constant 0 : i32
        %dma_wait3A_119 = arith.constant 0 : i32
        %dma_wait3A_120 = tpu.memref_slice %arg6[%dma_wait3A_118, %dma_wait3A_119] : memref<262144x96xf32, #tpu.memory_space<hbm>> -> memref<262144x96xf32, #tpu.memory_space<hbm>>
        tpu.wait_indirect_dma semaphore(%arg22 : memref<!tpu.dma_semaphore, #tpu.memory_space<semaphore_mem>>) src(%dma_wait3A_120 : memref<262144x96xf32, #tpu.memory_space<hbm>>) dst(%arg18 : memref<128x96xf32, #tpu.memory_space<vmem>>)
        %dma_wait3A_121 = arith.constant 0 : i32
        %dma_wait3A_122 = tpu.memref_slice %arg13[%dma_wait3A_121] : memref<4096xi32, #tpu.memory_space<vmem>> -> memref<128xi32, #tpu.memory_space<vmem>>
        %dma_wait3A_123 = arith.constant 0 : i32
        %dma_wait3A_124 = arith.constant 0 : i32
        %dma_wait3A_125 = tpu.memref_slice %arg7[%dma_wait3A_123, %dma_wait3A_124] : memref<262144x96xf32, #tpu.memory_space<hbm>> -> memref<262144x96xf32, #tpu.memory_space<hbm>>
        tpu.wait_indirect_dma semaphore(%arg22 : memref<!tpu.dma_semaphore, #tpu.memory_space<semaphore_mem>>) src(%dma_wait3A_125 : memref<262144x96xf32, #tpu.memory_space<hbm>>) dst(%arg19 : memref<128x96xf32, #tpu.memory_space<vmem>>)
        %ge3A_126 = arith.constant 2 : i32
        %ge3A_127 = arith.cmpi sge, %add3A_103, %ge3A_126 : i32
        %convert_element_type3A_128 = arith.extui %ge3A_127 : i1 to i32
        %cond3A_129 = arith.constant 0 : i32
        %cond3A_130 = arith.cmpi ne, %convert_element_type3A_128, %cond3A_129 : i32
        scf.if %cond3A_130 {
          %dma_wait3A_143 = arith.constant 0 : i32
          %dma_wait3A_144 = arith.constant 0 : i32
          %dma_wait3A_145 = tpu.memref_slice %arg8[%dma_wait3A_143, %dma_wait3A_144] : memref<524288x96xf32, #tpu.memory_space<hbm>> -> memref<128x96xf32, #tpu.memory_space<hbm>>
          %dma_wait3A_146 = arith.constant 0 : i32
          %dma_wait3A_147 = arith.constant 0 : i32
          %dma_wait3A_148 = tpu.memref_slice %arg8[%dma_wait3A_146, %dma_wait3A_147] : memref<524288x96xf32, #tpu.memory_space<hbm>> -> memref<128x96xf32, #tpu.memory_space<hbm>>
          tpu.wait_dma2 semaphore(%arg23 : memref<!tpu.dma_semaphore, #tpu.memory_space<semaphore_mem>>) src(%arg21 : memref<128x96xf32, #tpu.memory_space<vmem>>) dst(%dma_wait3A_148 : memref<128x96xf32, #tpu.memory_space<hbm>>)
        } else {
        }
        %scan3A_131 = arith.constant 0 : i32
        %scan3A_132 = arith.constant 128 : i32
        %scan3A_133 = arith.addi %scan3A_131, %scan3A_132 : i32
        %scan3A_134 = arith.constant 1 : i32
        scf.for %scan3A_143 = %scan3A_131 to %scan3A_133 step %scan3A_134  : i32 {
          %mul3A_144 = arith.constant 1 : i32
          %mul3A_145 = arith.muli %scan3A_143, %mul3A_144 : i32
          %add3A_146 = arith.constant 0 : i32
          %add3A_147 = arith.addi %add3A_146, %mul3A_145 : i32
          %get3A = arith.constant 0 : i32
          %get3A_148 = tpu.memref_slice %arg17[%add3A_147, %get3A] : memref<128x96xf32, #tpu.memory_space<vmem>> -> memref<1x96xf32, #tpu.memory_space<vmem>>
          %get3A_149 = tpu.memref_squeeze %get3A_148 : memref<1x96xf32, #tpu.memory_space<vmem>> -> memref<96xf32, #tpu.memory_space<vmem>>
          %get3A_150 = arith.constant 0 : index
          %get3A_151 = tpu.vector_load %get3A_149[%get3A_150] {strides = array<i32>} : memref<96xf32, #tpu.memory_space<vmem>>, vector<16xf32>,
          %get3A_152 = vector.shape_cast %get3A_151 : vector<16xf32> to vector<16xf32>
          %get3A_153 = arith.constant 0 : i32
          %get3A_154 = tpu.memref_slice %arg18[%add3A_147, %get3A_153] : memref<128x96xf32, #tpu.memory_space<vmem>> -> memref<1x96xf32, #tpu.memory_space<vmem>>
          %get3A_155 = tpu.memref_squeeze %get3A_154 : memref<1x96xf32, #tpu.memory_space<vmem>> -> memref<96xf32, #tpu.memory_space<vmem>>
          %get3A_156 = arith.constant 0 : index
          %get3A_157 = tpu.vector_load %get3A_155[%get3A_156] {strides = array<i32>} : memref<96xf32, #tpu.memory_space<vmem>>, vector<16xf32>,
          %get3A_158 = vector.shape_cast %get3A_157 : vector<16xf32> to vector<16xf32>
          %mul3A_159 = arith.mulf %get3A_152, %get3A_158 : vector<16xf32>
          %get3A_160 = arith.constant 0 : i32
          %get3A_161 = tpu.memref_slice %arg19[%add3A_147, %get3A_160] : memref<128x96xf32, #tpu.memory_space<vmem>> -> memref<1x96xf32, #tpu.memory_space<vmem>>
          %get3A_162 = tpu.memref_squeeze %get3A_161 : memref<1x96xf32, #tpu.memory_space<vmem>> -> memref<96xf32, #tpu.memory_space<vmem>>
          %get3A_163 = arith.constant 0 : index
          %get3A_164 = tpu.vector_load %get3A_162[%get3A_163] {strides = array<i32>} : memref<96xf32, #tpu.memory_space<vmem>>, vector<16xf32>,
          %get3A_165 = vector.shape_cast %get3A_164 : vector<16xf32> to vector<16xf32>
          %mul3A_166 = arith.mulf %mul3A_159, %get3A_165 : vector<16xf32>
          %swap3A = arith.constant 0 : i32
          %swap3A_167 = tpu.memref_slice %arg21[%add3A_147, %swap3A] : memref<128x96xf32, #tpu.memory_space<vmem>> -> memref<1x96xf32, #tpu.memory_space<vmem>>
          %swap3A_168 = tpu.memref_squeeze %swap3A_167 : memref<1x96xf32, #tpu.memory_space<vmem>> -> memref<96xf32, #tpu.memory_space<vmem>>
          %swap3A_169 = arith.constant 0 : index
          %swap3A_170 = tpu.vector_load %swap3A_168[%swap3A_169] {strides = array<i32>} : memref<96xf32, #tpu.memory_space<vmem>>, vector<16xf32>,
          %swap3A_171 = vector.shape_cast %swap3A_170 : vector<16xf32> to vector<16xf32>
          %swap3A_172 = vector.shape_cast %mul3A_166 : vector<16xf32> to vector<16xf32>
          tpu.vector_store %swap3A_168[%swap3A_169], %swap3A_172 {strides = array<i32>} : memref<96xf32, #tpu.memory_space<vmem>>, vector<16xf32>,
          %get3A_173 = arith.constant 0 : i32
          %get3A_174 = tpu.memref_slice %arg17[%add3A_147, %get3A_173] : memref<128x96xf32, #tpu.memory_space<vmem>> -> memref<1x96xf32, #tpu.memory_space<vmem>>
          %get3A_175 = tpu.memref_squeeze %get3A_174 : memref<1x96xf32, #tpu.memory_space<vmem>> -> memref<96xf32, #tpu.memory_space<vmem>>
          %get3A_176 = arith.constant 16 : index
          %get3A_177 = tpu.vector_load %get3A_175[%get3A_176] {strides = array<i32>} : memref<96xf32, #tpu.memory_space<vmem>>, vector<16xf32>,
          %get3A_178 = vector.shape_cast %get3A_177 : vector<16xf32> to vector<16xf32>
          %get3A_179 = arith.constant 0 : i32
          %get3A_180 = tpu.memref_slice %arg18[%add3A_147, %get3A_179] : memref<128x96xf32, #tpu.memory_space<vmem>> -> memref<1x96xf32, #tpu.memory_space<vmem>>
          %get3A_181 = tpu.memref_squeeze %get3A_180 : memref<1x96xf32, #tpu.memory_space<vmem>> -> memref<96xf32, #tpu.memory_space<vmem>>
          %get3A_182 = arith.constant 16 : index
          %get3A_183 = tpu.vector_load %get3A_181[%get3A_182] {strides = array<i32>} : memref<96xf32, #tpu.memory_space<vmem>>, vector<16xf32>,
          %get3A_184 = vector.shape_cast %get3A_183 : vector<16xf32> to vector<16xf32>
          %mul3A_185 = arith.mulf %get3A_178, %get3A_184 : vector<16xf32>
          %get3A_186 = arith.constant 0 : i32
          %get3A_187 = tpu.memref_slice %arg19[%add3A_147, %get3A_186] : memref<128x96xf32, #tpu.memory_space<vmem>> -> memref<1x96xf32, #tpu.memory_space<vmem>>
          %get3A_188 = tpu.memref_squeeze %get3A_187 : memref<1x96xf32, #tpu.memory_space<vmem>> -> memref<96xf32, #tpu.memory_space<vmem>>
          %get3A_189 = arith.constant 16 : index
          %get3A_190 = tpu.vector_load %get3A_188[%get3A_189] {strides = array<i32>} : memref<96xf32, #tpu.memory_space<vmem>>, vector<16xf32>,
          %get3A_191 = vector.shape_cast %get3A_190 : vector<16xf32> to vector<16xf32>
          %mul3A_192 = arith.mulf %mul3A_185, %get3A_191 : vector<16xf32>
          %swap3A_193 = arith.constant 0 : i32
          %swap3A_194 = tpu.memref_slice %arg21[%add3A_147, %swap3A_193] : memref<128x96xf32, #tpu.memory_space<vmem>> -> memref<1x96xf32, #tpu.memory_space<vmem>>
          %swap3A_195 = tpu.memref_squeeze %swap3A_194 : memref<1x96xf32, #tpu.memory_space<vmem>> -> memref<96xf32, #tpu.memory_space<vmem>>
          %swap3A_196 = arith.constant 16 : index
          %swap3A_197 = tpu.vector_load %swap3A_195[%swap3A_196] {strides = array<i32>} : memref<96xf32, #tpu.memory_space<vmem>>, vector<16xf32>,
          %swap3A_198 = vector.shape_cast %swap3A_197 : vector<16xf32> to vector<16xf32>
          %swap3A_199 = vector.shape_cast %mul3A_192 : vector<16xf32> to vector<16xf32>
          tpu.vector_store %swap3A_195[%swap3A_196], %swap3A_199 {strides = array<i32>} : memref<96xf32, #tpu.memory_space<vmem>>, vector<16xf32>,
          %get3A_200 = arith.constant 0 : i32
          %get3A_201 = tpu.memref_slice %arg17[%add3A_147, %get3A_200] : memref<128x96xf32, #tpu.memory_space<vmem>> -> memref<1x96xf32, #tpu.memory_space<vmem>>
          %get3A_202 = tpu.memref_squeeze %get3A_201 : memref<1x96xf32, #tpu.memory_space<vmem>> -> memref<96xf32, #tpu.memory_space<vmem>>
          %get3A_203 = arith.constant 32 : index
          %get3A_204 = tpu.vector_load %get3A_202[%get3A_203] {strides = array<i32>} : memref<96xf32, #tpu.memory_space<vmem>>, vector<16xf32>,
          %get3A_205 = vector.shape_cast %get3A_204 : vector<16xf32> to vector<16xf32>
          %get3A_206 = arith.constant 0 : i32
          %get3A_207 = tpu.memref_slice %arg18[%add3A_147, %get3A_206] : memref<128x96xf32, #tpu.memory_space<vmem>> -> memref<1x96xf32, #tpu.memory_space<vmem>>
          %get3A_208 = tpu.memref_squeeze %get3A_207 : memref<1x96xf32, #tpu.memory_space<vmem>> -> memref<96xf32, #tpu.memory_space<vmem>>
          %get3A_209 = arith.constant 32 : index
          %get3A_210 = tpu.vector_load %get3A_208[%get3A_209] {strides = array<i32>} : memref<96xf32, #tpu.memory_space<vmem>>, vector<16xf32>,
          %get3A_211 = vector.shape_cast %get3A_210 : vector<16xf32> to vector<16xf32>
          %mul3A_212 = arith.mulf %get3A_205, %get3A_211 : vector<16xf32>
          %get3A_213 = arith.constant 0 : i32
          %get3A_214 = tpu.memref_slice %arg19[%add3A_147, %get3A_213] : memref<128x96xf32, #tpu.memory_space<vmem>> -> memref<1x96xf32, #tpu.memory_space<vmem>>
          %get3A_215 = tpu.memref_squeeze %get3A_214 : memref<1x96xf32, #tpu.memory_space<vmem>> -> memref<96xf32, #tpu.memory_space<vmem>>
          %get3A_216 = arith.constant 32 : index
          %get3A_217 = tpu.vector_load %get3A_215[%get3A_216] {strides = array<i32>} : memref<96xf32, #tpu.memory_space<vmem>>, vector<16xf32>,
          %get3A_218 = vector.shape_cast %get3A_217 : vector<16xf32> to vector<16xf32>
          %mul3A_219 = arith.mulf %mul3A_212, %get3A_218 : vector<16xf32>
          %swap3A_220 = arith.constant 0 : i32
          %swap3A_221 = tpu.memref_slice %arg21[%add3A_147, %swap3A_220] : memref<128x96xf32, #tpu.memory_space<vmem>> -> memref<1x96xf32, #tpu.memory_space<vmem>>
          %swap3A_222 = tpu.memref_squeeze %swap3A_221 : memref<1x96xf32, #tpu.memory_space<vmem>> -> memref<96xf32, #tpu.memory_space<vmem>>
          %swap3A_223 = arith.constant 32 : index
          %swap3A_224 = tpu.vector_load %swap3A_222[%swap3A_223] {strides = array<i32>} : memref<96xf32, #tpu.memory_space<vmem>>, vector<16xf32>,
          %swap3A_225 = vector.shape_cast %swap3A_224 : vector<16xf32> to vector<16xf32>
          %swap3A_226 = vector.shape_cast %mul3A_219 : vector<16xf32> to vector<16xf32>
          tpu.vector_store %swap3A_222[%swap3A_223], %swap3A_226 {strides = array<i32>} : memref<96xf32, #tpu.memory_space<vmem>>, vector<16xf32>,
          %get3A_227 = arith.constant 0 : i32
          %get3A_228 = tpu.memref_slice %arg17[%add3A_147, %get3A_227] : memref<128x96xf32, #tpu.memory_space<vmem>> -> memref<1x96xf32, #tpu.memory_space<vmem>>
          %get3A_229 = tpu.memref_squeeze %get3A_228 : memref<1x96xf32, #tpu.memory_space<vmem>> -> memref<96xf32, #tpu.memory_space<vmem>>
          %get3A_230 = arith.constant 48 : index
          %get3A_231 = tpu.vector_load %get3A_229[%get3A_230] {strides = array<i32>} : memref<96xf32, #tpu.memory_space<vmem>>, vector<16xf32>,
          %get3A_232 = vector.shape_cast %get3A_231 : vector<16xf32> to vector<16xf32>
          %get3A_233 = arith.constant 0 : i32
          %get3A_234 = tpu.memref_slice %arg18[%add3A_147, %get3A_233] : memref<128x96xf32, #tpu.memory_space<vmem>> -> memref<1x96xf32, #tpu.memory_space<vmem>>
          %get3A_235 = tpu.memref_squeeze %get3A_234 : memref<1x96xf32, #tpu.memory_space<vmem>> -> memref<96xf32, #tpu.memory_space<vmem>>
          %get3A_236 = arith.constant 48 : index
          %get3A_237 = tpu.vector_load %get3A_235[%get3A_236] {strides = array<i32>} : memref<96xf32, #tpu.memory_space<vmem>>, vector<16xf32>,
          %get3A_238 = vector.shape_cast %get3A_237 : vector<16xf32> to vector<16xf32>
          %mul3A_239 = arith.mulf %get3A_232, %get3A_238 : vector<16xf32>
          %get3A_240 = arith.constant 0 : i32
          %get3A_241 = tpu.memref_slice %arg19[%add3A_147, %get3A_240] : memref<128x96xf32, #tpu.memory_space<vmem>> -> memref<1x96xf32, #tpu.memory_space<vmem>>
          %get3A_242 = tpu.memref_squeeze %get3A_241 : memref<1x96xf32, #tpu.memory_space<vmem>> -> memref<96xf32, #tpu.memory_space<vmem>>
          %get3A_243 = arith.constant 48 : index
          %get3A_244 = tpu.vector_load %get3A_242[%get3A_243] {strides = array<i32>} : memref<96xf32, #tpu.memory_space<vmem>>, vector<16xf32>,
          %get3A_245 = vector.shape_cast %get3A_244 : vector<16xf32> to vector<16xf32>
          %mul3A_246 = arith.mulf %mul3A_239, %get3A_245 : vector<16xf32>
          %swap3A_247 = arith.constant 0 : i32
          %swap3A_248 = tpu.memref_slice %arg21[%add3A_147, %swap3A_247] : memref<128x96xf32, #tpu.memory_space<vmem>> -> memref<1x96xf32, #tpu.memory_space<vmem>>
          %swap3A_249 = tpu.memref_squeeze %swap3A_248 : memref<1x96xf32, #tpu.memory_space<vmem>> -> memref<96xf32, #tpu.memory_space<vmem>>
          %swap3A_250 = arith.constant 48 : index
          %swap3A_251 = tpu.vector_load %swap3A_249[%swap3A_250] {strides = array<i32>} : memref<96xf32, #tpu.memory_space<vmem>>, vector<16xf32>,
          %swap3A_252 = vector.shape_cast %swap3A_251 : vector<16xf32> to vector<16xf32>
          %swap3A_253 = vector.shape_cast %mul3A_246 : vector<16xf32> to vector<16xf32>
          tpu.vector_store %swap3A_249[%swap3A_250], %swap3A_253 {strides = array<i32>} : memref<96xf32, #tpu.memory_space<vmem>>, vector<16xf32>,
          %get3A_254 = arith.constant 0 : i32
          %get3A_255 = tpu.memref_slice %arg17[%add3A_147, %get3A_254] : memref<128x96xf32, #tpu.memory_space<vmem>> -> memref<1x96xf32, #tpu.memory_space<vmem>>
          %get3A_256 = tpu.memref_squeeze %get3A_255 : memref<1x96xf32, #tpu.memory_space<vmem>> -> memref<96xf32, #tpu.memory_space<vmem>>
          %get3A_257 = arith.constant 64 : index
          %get3A_258 = tpu.vector_load %get3A_256[%get3A_257] {strides = array<i32>} : memref<96xf32, #tpu.memory_space<vmem>>, vector<16xf32>,
          %get3A_259 = vector.shape_cast %get3A_258 : vector<16xf32> to vector<16xf32>
          %get3A_260 = arith.constant 0 : i32
          %get3A_261 = tpu.memref_slice %arg18[%add3A_147, %get3A_260] : memref<128x96xf32, #tpu.memory_space<vmem>> -> memref<1x96xf32, #tpu.memory_space<vmem>>
          %get3A_262 = tpu.memref_squeeze %get3A_261 : memref<1x96xf32, #tpu.memory_space<vmem>> -> memref<96xf32, #tpu.memory_space<vmem>>
          %get3A_263 = arith.constant 64 : index
          %get3A_264 = tpu.vector_load %get3A_262[%get3A_263] {strides = array<i32>} : memref<96xf32, #tpu.memory_space<vmem>>, vector<16xf32>,
          %get3A_265 = vector.shape_cast %get3A_264 : vector<16xf32> to vector<16xf32>
          %mul3A_266 = arith.mulf %get3A_259, %get3A_265 : vector<16xf32>
          %get3A_267 = arith.constant 0 : i32
          %get3A_268 = tpu.memref_slice %arg19[%add3A_147, %get3A_267] : memref<128x96xf32, #tpu.memory_space<vmem>> -> memref<1x96xf32, #tpu.memory_space<vmem>>
          %get3A_269 = tpu.memref_squeeze %get3A_268 : memref<1x96xf32, #tpu.memory_space<vmem>> -> memref<96xf32, #tpu.memory_space<vmem>>
          %get3A_270 = arith.constant 64 : index
          %get3A_271 = tpu.vector_load %get3A_269[%get3A_270] {strides = array<i32>} : memref<96xf32, #tpu.memory_space<vmem>>, vector<16xf32>,
          %get3A_272 = vector.shape_cast %get3A_271 : vector<16xf32> to vector<16xf32>
          %mul3A_273 = arith.mulf %mul3A_266, %get3A_272 : vector<16xf32>
          %swap3A_274 = arith.constant 0 : i32
          %swap3A_275 = tpu.memref_slice %arg21[%add3A_147, %swap3A_274] : memref<128x96xf32, #tpu.memory_space<vmem>> -> memref<1x96xf32, #tpu.memory_space<vmem>>
          %swap3A_276 = tpu.memref_squeeze %swap3A_275 : memref<1x96xf32, #tpu.memory_space<vmem>> -> memref<96xf32, #tpu.memory_space<vmem>>
          %swap3A_277 = arith.constant 64 : index
          %swap3A_278 = tpu.vector_load %swap3A_276[%swap3A_277] {strides = array<i32>} : memref<96xf32, #tpu.memory_space<vmem>>, vector<16xf32>,
          %swap3A_279 = vector.shape_cast %swap3A_278 : vector<16xf32> to vector<16xf32>
          %swap3A_280 = vector.shape_cast %mul3A_273 : vector<16xf32> to vector<16xf32>
          tpu.vector_store %swap3A_276[%swap3A_277], %swap3A_280 {strides = array<i32>} : memref<96xf32, #tpu.memory_space<vmem>>, vector<16xf32>,
          %get3A_281 = arith.constant 0 : i32
          %get3A_282 = tpu.memref_slice %arg17[%add3A_147, %get3A_281] : memref<128x96xf32, #tpu.memory_space<vmem>> -> memref<1x96xf32, #tpu.memory_space<vmem>>
          %get3A_283 = tpu.memref_squeeze %get3A_282 : memref<1x96xf32, #tpu.memory_space<vmem>> -> memref<96xf32, #tpu.memory_space<vmem>>
          %get3A_284 = arith.constant 80 : index
          %get3A_285 = tpu.vector_load %get3A_283[%get3A_284] {strides = array<i32>} : memref<96xf32, #tpu.memory_space<vmem>>, vector<16xf32>,
          %get3A_286 = vector.shape_cast %get3A_285 : vector<16xf32> to vector<16xf32>
          %get3A_287 = arith.constant 0 : i32
          %get3A_288 = tpu.memref_slice %arg18[%add3A_147, %get3A_287] : memref<128x96xf32, #tpu.memory_space<vmem>> -> memref<1x96xf32, #tpu.memory_space<vmem>>
          %get3A_289 = tpu.memref_squeeze %get3A_288 : memref<1x96xf32, #tpu.memory_space<vmem>> -> memref<96xf32, #tpu.memory_space<vmem>>
          %get3A_290 = arith.constant 80 : index
          %get3A_291 = tpu.vector_load %get3A_289[%get3A_290] {strides = array<i32>} : memref<96xf32, #tpu.memory_space<vmem>>, vector<16xf32>,
          %get3A_292 = vector.shape_cast %get3A_291 : vector<16xf32> to vector<16xf32>
          %mul3A_293 = arith.mulf %get3A_286, %get3A_292 : vector<16xf32>
          %get3A_294 = arith.constant 0 : i32
          %get3A_295 = tpu.memref_slice %arg19[%add3A_147, %get3A_294] : memref<128x96xf32, #tpu.memory_space<vmem>> -> memref<1x96xf32, #tpu.memory_space<vmem>>
          %get3A_296 = tpu.memref_squeeze %get3A_295 : memref<1x96xf32, #tpu.memory_space<vmem>> -> memref<96xf32, #tpu.memory_space<vmem>>
          %get3A_297 = arith.constant 80 : index
          %get3A_298 = tpu.vector_load %get3A_296[%get3A_297] {strides = array<i32>} : memref<96xf32, #tpu.memory_space<vmem>>, vector<16xf32>,
          %get3A_299 = vector.shape_cast %get3A_298 : vector<16xf32> to vector<16xf32>
          %mul3A_300 = arith.mulf %mul3A_293, %get3A_299 : vector<16xf32>
          %swap3A_301 = arith.constant 0 : i32
          %swap3A_302 = tpu.memref_slice %arg21[%add3A_147, %swap3A_301] : memref<128x96xf32, #tpu.memory_space<vmem>> -> memref<1x96xf32, #tpu.memory_space<vmem>>
          %swap3A_303 = tpu.memref_squeeze %swap3A_302 : memref<1x96xf32, #tpu.memory_space<vmem>> -> memref<96xf32, #tpu.memory_space<vmem>>
          %swap3A_304 = arith.constant 80 : index
          %swap3A_305 = tpu.vector_load %swap3A_303[%swap3A_304] {strides = array<i32>} : memref<96xf32, #tpu.memory_space<vmem>>, vector<16xf32>,
          %swap3A_306 = vector.shape_cast %swap3A_305 : vector<16xf32> to vector<16xf32>
          %swap3A_307 = vector.shape_cast %mul3A_300 : vector<16xf32> to vector<16xf32>
          tpu.vector_store %swap3A_303[%swap3A_304], %swap3A_307 {strides = array<i32>} : memref<96xf32, #tpu.memory_space<vmem>>, vector<16xf32>,
        }
        %scan3A_135 = arith.constant 128 : i32
        %mul3A_136 = arith.constant 128 : i32
        %mul3A_137 = arith.muli %add3A_103, %mul3A_136 : i32
        %add3A_138 = arith.addi %add3A_12, %mul3A_137 : i32
        %dma_start3A_139 = arith.constant 0 : i32
        %dma_start3A_140 = tpu.memref_slice %arg8[%add3A_138, %dma_start3A_139] : memref<524288x96xf32, #tpu.memory_space<hbm>> -> memref<128x96xf32, #tpu.memory_space<hbm>>
        %dma_start3A_141 = arith.constant 0 : i32
        %dma_start3A_142 = tpu.memref_slice %arg8[%add3A_138, %dma_start3A_141] : memref<524288x96xf32, #tpu.memory_space<hbm>> -> memref<128x96xf32, #tpu.memory_space<hbm>>
        tpu.enqueue_dma source(%arg21 : memref<128x96xf32, #tpu.memory_space<vmem>>) target(%dma_start3A_142 : memref<128x96xf32, #tpu.memory_space<hbm>>) target_semaphore(%arg23 : memref<!tpu.dma_semaphore, #tpu.memory_space<semaphore_mem>>)
      }
      %scan3A_47 = arith.constant 16 : i32
      %dma_wait3A_48 = arith.constant 0 : i32
      %dma_wait3A_49 = arith.constant 0 : i32
      %dma_wait3A_50 = tpu.memref_slice %arg8[%dma_wait3A_48, %dma_wait3A_49] : memref<524288x96xf32, #tpu.memory_space<hbm>> -> memref<128x96xf32, #tpu.memory_space<hbm>>
      %dma_wait3A_51 = arith.constant 0 : i32
      %dma_wait3A_52 = arith.constant 0 : i32
      %dma_wait3A_53 = tpu.memref_slice %arg8[%dma_wait3A_51, %dma_wait3A_52] : memref<524288x96xf32, #tpu.memory_space<hbm>> -> memref<128x96xf32, #tpu.memory_space<hbm>>
      tpu.wait_dma2 semaphore(%arg23 : memref<!tpu.dma_semaphore, #tpu.memory_space<semaphore_mem>>) src(%arg20 : memref<128x96xf32, #tpu.memory_space<vmem>>) dst(%dma_wait3A_53 : memref<128x96xf32, #tpu.memory_space<hbm>>)
      %dma_wait3A_54 = arith.constant 0 : i32
      %dma_wait3A_55 = arith.constant 0 : i32
      %dma_wait3A_56 = tpu.memref_slice %arg8[%dma_wait3A_54, %dma_wait3A_55] : memref<524288x96xf32, #tpu.memory_space<hbm>> -> memref<128x96xf32, #tpu.memory_space<hbm>>
      %dma_wait3A_57 = arith.constant 0 : i32
      %dma_wait3A_58 = arith.constant 0 : i32
      %dma_wait3A_59 = tpu.memref_slice %arg8[%dma_wait3A_57, %dma_wait3A_58] : memref<524288x96xf32, #tpu.memory_space<hbm>> -> memref<128x96xf32, #tpu.memory_space<hbm>>
      tpu.wait_dma2 semaphore(%arg23 : memref<!tpu.dma_semaphore, #tpu.memory_space<semaphore_mem>>) src(%arg21 : memref<128x96xf32, #tpu.memory_space<vmem>>) dst(%dma_wait3A_59 : memref<128x96xf32, #tpu.memory_space<hbm>>)
    }
    %scan3A_6 = arith.constant 4 : i32
    return
  }
}

module attributes {stable_mosaic.version = 14 : i64} {
  func.func @_mlp_body(%arg0: i32, %arg1: memref<2048x96xf32, #tpu.memory_space<vmem>>, %arg2: memref<3x2048xf32, #tpu.memory_space<vmem>>, %arg3: memref<3x2048xf32, #tpu.memory_space<vmem>>, %arg4: memref<64x96xf32, #tpu.memory_space<vmem>>, %arg5: memref<64x1xf32, #tpu.memory_space<vmem>>, %arg6: memref<16x64xf32, #tpu.memory_space<vmem>>, %arg7: memref<16x1xf32, #tpu.memory_space<vmem>>, %arg8: memref<64x48xf32, #tpu.memory_space<vmem>>, %arg9: memref<64x1xf32, #tpu.memory_space<vmem>>, %arg10: memref<64x64xf32, #tpu.memory_space<vmem>>, %arg11: memref<64x1xf32, #tpu.memory_space<vmem>>, %arg12: memref<3x64xf32, #tpu.memory_space<vmem>>, %arg13: memref<3x1xf32, #tpu.memory_space<vmem>>, %arg14: memref<3x2048xf32, #tpu.memory_space<vmem>>, %arg15: memref<1x2048xf32, #tpu.memory_space<vmem>>) attributes {dimension_semantics = [#tpu.dimension_semantics<arbitrary>], iteration_bounds = array<i64: 256>, scalar_prefetch = 0 : i64, scratch_operands = 0 : i64, tpu.core_type = #tpu.core_type<tc>, window_params = [{transform_indices = @transform_0, window_bounds = array<i64: 2048, 96>}, {transform_indices = @transform_1, window_bounds = array<i64: 3, 2048>}, {transform_indices = @transform_2, window_bounds = array<i64: 3, 2048>}, {pipeline_mode = #tpu.pipeline_mode<synchronous>, transform_indices = @transform_3, window_bounds = array<i64: 64, 96>}, {pipeline_mode = #tpu.pipeline_mode<synchronous>, transform_indices = @transform_4, window_bounds = array<i64: 64, 1>}, {pipeline_mode = #tpu.pipeline_mode<synchronous>, transform_indices = @transform_5, window_bounds = array<i64: 16, 64>}, {pipeline_mode = #tpu.pipeline_mode<synchronous>, transform_indices = @transform_6, window_bounds = array<i64: 16, 1>}, {pipeline_mode = #tpu.pipeline_mode<synchronous>, transform_indices = @transform_7, window_bounds = array<i64: 64, 48>}, {pipeline_mode = #tpu.pipeline_mode<synchronous>, transform_indices = @transform_8, window_bounds = array<i64: 64, 1>}, {pipeline_mode = #tpu.pipeline_mode<synchronous>, transform_indices = @transform_9, window_bounds = array<i64: 64, 64>}, {pipeline_mode = #tpu.pipeline_mode<synchronous>, transform_indices = @transform_10, window_bounds = array<i64: 64, 1>}, {pipeline_mode = #tpu.pipeline_mode<synchronous>, transform_indices = @transform_11, window_bounds = array<i64: 3, 64>}, {pipeline_mode = #tpu.pipeline_mode<synchronous>, transform_indices = @transform_12, window_bounds = array<i64: 3, 1>}, {transform_indices = @transform_13, window_bounds = array<i64: 3, 2048>}, {transform_indices = @transform_14, window_bounds = array<i64: 1, 2048>}]} {
    %get3A = arith.constant 0 : index
    %get3A_0 = arith.constant 0 : index
    %get3A_1 = vector.load %arg1[%get3A, %get3A_0] : memref<2048x96xf32, #tpu.memory_space<vmem>>, vector<2048x96xf32>
    %get3A_2 = arith.constant 0 : index
    %get3A_3 = arith.constant 0 : index
    %get3A_4 = vector.load %arg4[%get3A_2, %get3A_3] : memref<64x96xf32, #tpu.memory_space<vmem>>, vector<64x96xf32>
    %dot_general3A = arith.constant dense<0.000000e+00> : vector<64x2048xf32>
    %dot_general3A_5 = tpu.matmul %get3A_4, %get3A_1, %dot_general3A {dimension_numbers = #tpu.dot_dimension_numbers<[1], [1], [0], [0], [0, 0, 1, 0], [], []>, transpose_lhs_hint = false} : vector<64x96xf32>, vector<2048x96xf32>, vector<64x2048xf32> -> vector<64x2048xf32>
    %get3A_6 = arith.constant 0 : index
    %get3A_7 = arith.constant 0 : index
    %get3A_8 = vector.load %arg5[%get3A_6, %get3A_7] : memref<64x1xf32, #tpu.memory_space<vmem>>, vector<64x1xf32>
    %add3A = vector.broadcast %get3A_8 : vector<64x1xf32> to vector<64x2048xf32>
    %add3A_9 = arith.addf %dot_general3A_5, %add3A : vector<64x2048xf32>
    %max3A = arith.constant 0.000000e+00 : f32
    %max3A_10 = vector.broadcast %max3A : f32 to vector<64x2048xf32>
    %max3A_11 = arith.maximumf %add3A_9, %max3A_10 : vector<64x2048xf32>
    %get3A_12 = arith.constant 0 : index
    %get3A_13 = arith.constant 0 : index
    %get3A_14 = vector.load %arg6[%get3A_12, %get3A_13] : memref<16x64xf32, #tpu.memory_space<vmem>>, vector<16x64xf32>
    %dot_general3A_15 = arith.constant dense<0.000000e+00> : vector<16x2048xf32>
    %dot_general3A_16 = tpu.matmul %get3A_14, %max3A_11, %dot_general3A_15 {dimension_numbers = #tpu.dot_dimension_numbers<[1], [0], [0], [1], [0, 0, 1, 1], [], []>, transpose_lhs_hint = false} : vector<16x64xf32>, vector<64x2048xf32>, vector<16x2048xf32> -> vector<16x2048xf32>
    %get3A_17 = arith.constant 0 : index
    %get3A_18 = arith.constant 0 : index
    %get3A_19 = vector.load %arg7[%get3A_17, %get3A_18] : memref<16x1xf32, #tpu.memory_space<vmem>>, vector<16x1xf32>
    %add3A_20 = vector.broadcast %get3A_19 : vector<16x1xf32> to vector<16x2048xf32>
    %add3A_21 = arith.addf %dot_general3A_16, %add3A_20 : vector<16x2048xf32>
    %max3A_22 = arith.constant 0.000000e+00 : f32
    %max3A_23 = vector.broadcast %max3A_22 : f32 to vector<16x2048xf32>
    %max3A_24 = arith.maximumf %add3A_21, %max3A_23 : vector<16x2048xf32>
    %get3A_25 = arith.constant 0 : index
    %get3A_26 = arith.constant 0 : index
    %get3A_27 = vector.load %arg3[%get3A_25, %get3A_26] : memref<3x2048xf32, #tpu.memory_space<vmem>>, vector<3x2048xf32>
    %sin3A = math.sin %get3A_27 : vector<3x2048xf32>
    %cos3A = math.cos %get3A_27 : vector<3x2048xf32>
    %mul3A = arith.constant 2.000000e+00 : f32
    %mul3A_28 = vector.broadcast %mul3A : f32 to vector<3x2048xf32>
    %mul3A_29 = arith.mulf %mul3A_28, %sin3A : vector<3x2048xf32>
    %mul3A_30 = arith.mulf %mul3A_29, %cos3A : vector<3x2048xf32>
    %mul3A_31 = arith.constant 2.000000e+00 : f32
    %mul3A_32 = vector.broadcast %mul3A_31 : f32 to vector<3x2048xf32>
    %mul3A_33 = arith.mulf %mul3A_32, %sin3A : vector<3x2048xf32>
    %mul3A_34 = arith.mulf %mul3A_33, %sin3A : vector<3x2048xf32>
    %sub3A = arith.constant 1.000000e+00 : f32
    %sub3A_35 = vector.broadcast %sub3A : f32 to vector<3x2048xf32>
    %sub3A_36 = arith.subf %sub3A_35, %mul3A_34 : vector<3x2048xf32>
    %mul3A_37 = arith.constant 2.000000e+00 : f32
    %mul3A_38 = vector.broadcast %mul3A_37 : f32 to vector<3x2048xf32>
    %mul3A_39 = arith.mulf %mul3A_38, %mul3A_30 : vector<3x2048xf32>
    %mul3A_40 = arith.mulf %mul3A_39, %sub3A_36 : vector<3x2048xf32>
    %mul3A_41 = arith.constant 2.000000e+00 : f32
    %mul3A_42 = vector.broadcast %mul3A_41 : f32 to vector<3x2048xf32>
    %mul3A_43 = arith.mulf %mul3A_42, %mul3A_30 : vector<3x2048xf32>
    %mul3A_44 = arith.mulf %mul3A_43, %mul3A_30 : vector<3x2048xf32>
    %sub3A_45 = arith.constant 1.000000e+00 : f32
    %sub3A_46 = vector.broadcast %sub3A_45 : f32 to vector<3x2048xf32>
    %sub3A_47 = arith.subf %sub3A_46, %mul3A_44 : vector<3x2048xf32>
    %mul3A_48 = arith.constant 2.000000e+00 : f32
    %mul3A_49 = vector.broadcast %mul3A_48 : f32 to vector<3x2048xf32>
    %mul3A_50 = arith.mulf %mul3A_49, %mul3A_40 : vector<3x2048xf32>
    %mul3A_51 = arith.mulf %mul3A_50, %sub3A_47 : vector<3x2048xf32>
    %mul3A_52 = arith.constant 2.000000e+00 : f32
    %mul3A_53 = vector.broadcast %mul3A_52 : f32 to vector<3x2048xf32>
    %mul3A_54 = arith.mulf %mul3A_53, %mul3A_40 : vector<3x2048xf32>
    %mul3A_55 = arith.mulf %mul3A_54, %mul3A_40 : vector<3x2048xf32>
    %sub3A_56 = arith.constant 1.000000e+00 : f32
    %sub3A_57 = vector.broadcast %sub3A_56 : f32 to vector<3x2048xf32>
    %sub3A_58 = arith.subf %sub3A_57, %mul3A_55 : vector<3x2048xf32>
    %broadcast_in_dim3A = arith.constant 0.000000e+00 : f32
    %broadcast_in_dim3A_59 = vector.broadcast %broadcast_in_dim3A : f32 to vector<5x2048xf32>
    %concatenate3A = tpu.concatenate %get3A_27, %sin3A, %cos3A, %mul3A_30, %sub3A_36, %mul3A_40, %sub3A_47, %mul3A_51, %sub3A_58, %broadcast_in_dim3A_59, %max3A_24 in 0 : vector<3x2048xf32>, vector<3x2048xf32>, vector<3x2048xf32>, vector<3x2048xf32>, vector<3x2048xf32>, vector<3x2048xf32>, vector<3x2048xf32>, vector<3x2048xf32>, vector<3x2048xf32>, vector<5x2048xf32>, vector<16x2048xf32> -> vector<48x2048xf32>
    %get3A_60 = arith.constant 0 : index
    %get3A_61 = arith.constant 0 : index
    %get3A_62 = vector.load %arg8[%get3A_60, %get3A_61] : memref<64x48xf32, #tpu.memory_space<vmem>>, vector<64x48xf32>
    %dot_general3A_63 = arith.constant dense<0.000000e+00> : vector<64x2048xf32>
    %dot_general3A_64 = tpu.matmul %get3A_62, %concatenate3A, %dot_general3A_63 {dimension_numbers = #tpu.dot_dimension_numbers<[1], [0], [0], [1], [0, 0, 1, 1], [], []>, transpose_lhs_hint = false} : vector<64x48xf32>, vector<48x2048xf32>, vector<64x2048xf32> -> vector<64x2048xf32>
    %get3A_65 = arith.constant 0 : index
    %get3A_66 = arith.constant 0 : index
    %get3A_67 = vector.load %arg9[%get3A_65, %get3A_66] : memref<64x1xf32, #tpu.memory_space<vmem>>, vector<64x1xf32>
    %add3A_68 = vector.broadcast %get3A_67 : vector<64x1xf32> to vector<64x2048xf32>
    %add3A_69 = arith.addf %dot_general3A_64, %add3A_68 : vector<64x2048xf32>
    %max3A_70 = arith.constant 0.000000e+00 : f32
    %max3A_71 = vector.broadcast %max3A_70 : f32 to vector<64x2048xf32>
    %max3A_72 = arith.maximumf %add3A_69, %max3A_71 : vector<64x2048xf32>
    %get3A_73 = arith.constant 0 : index
    %get3A_74 = arith.constant 0 : index
    %get3A_75 = vector.load %arg10[%get3A_73, %get3A_74] : memref<64x64xf32, #tpu.memory_space<vmem>>, vector<64x64xf32>
    %dot_general3A_76 = arith.constant dense<0.000000e+00> : vector<64x2048xf32>
    %dot_general3A_77 = tpu.matmul %get3A_75, %max3A_72, %dot_general3A_76 {dimension_numbers = #tpu.dot_dimension_numbers<[1], [0], [0], [1], [0, 0, 1, 1], [], []>, transpose_lhs_hint = false} : vector<64x64xf32>, vector<64x2048xf32>, vector<64x2048xf32> -> vector<64x2048xf32>
    %get3A_78 = arith.constant 0 : index
    %get3A_79 = arith.constant 0 : index
    %get3A_80 = vector.load %arg11[%get3A_78, %get3A_79] : memref<64x1xf32, #tpu.memory_space<vmem>>, vector<64x1xf32>
    %add3A_81 = vector.broadcast %get3A_80 : vector<64x1xf32> to vector<64x2048xf32>
    %add3A_82 = arith.addf %dot_general3A_77, %add3A_81 : vector<64x2048xf32>
    %max3A_83 = arith.constant 0.000000e+00 : f32
    %max3A_84 = vector.broadcast %max3A_83 : f32 to vector<64x2048xf32>
    %max3A_85 = arith.maximumf %add3A_82, %max3A_84 : vector<64x2048xf32>
    %get3A_86 = arith.constant 0 : index
    %get3A_87 = arith.constant 0 : index
    %get3A_88 = vector.load %arg12[%get3A_86, %get3A_87] : memref<3x64xf32, #tpu.memory_space<vmem>>, vector<3x64xf32>
    %dot_general3A_89 = arith.constant dense<0.000000e+00> : vector<3x2048xf32>
    %dot_general3A_90 = tpu.matmul %get3A_88, %max3A_85, %dot_general3A_89 {dimension_numbers = #tpu.dot_dimension_numbers<[1], [0], [0], [1], [0, 0, 1, 1], [], []>, transpose_lhs_hint = false} : vector<3x64xf32>, vector<64x2048xf32>, vector<3x2048xf32> -> vector<3x2048xf32>
    %get3A_91 = arith.constant 0 : index
    %get3A_92 = arith.constant 0 : index
    %get3A_93 = vector.load %arg13[%get3A_91, %get3A_92] : memref<3x1xf32, #tpu.memory_space<vmem>>, vector<3x1xf32>
    %add3A_94 = vector.broadcast %get3A_93 : vector<3x1xf32> to vector<3x2048xf32>
    %add3A_95 = arith.addf %dot_general3A_90, %add3A_94 : vector<3x2048xf32>
    %logistic3A = arith.negf %add3A_95 : vector<3x2048xf32>
    %logistic3A_96 = math.exp %logistic3A : vector<3x2048xf32>
    %logistic3A_97 = arith.constant 1.000000e+00 : f32
    %logistic3A_98 = vector.broadcast %logistic3A_97 : f32 to vector<3x2048xf32>
    %logistic3A_99 = arith.addf %logistic3A_98, %logistic3A_96 : vector<3x2048xf32>
    %logistic3A_100 = arith.divf %logistic3A_98, %logistic3A_99 : vector<3x2048xf32>
    %get3A_101 = arith.constant 0 : index
    %get3A_102 = arith.constant 0 : index
    %get3A_103 = vector.load %arg2[%get3A_101, %get3A_102] : memref<3x2048xf32, #tpu.memory_space<vmem>>, vector<3x2048xf32>
    %abs3A = math.absf %get3A_103 : vector<3x2048xf32>
    %lt3A = arith.constant 1.000000e+00 : f32
    %lt3A_104 = vector.broadcast %lt3A : f32 to vector<3x2048xf32>
    %lt3A_105 = arith.cmpf olt, %abs3A, %lt3A_104 : vector<3x2048xf32>
    %slice3A = vector.extract_strided_slice %lt3A_105 {offsets = [0, 0], sizes = [1, 2048], strides = [1, 1]} : vector<3x2048xi1> to vector<1x2048xi1>
    %slice3A_106 = vector.extract_strided_slice %lt3A_105 {offsets = [1, 0], sizes = [1, 2048], strides = [1, 1]} : vector<3x2048xi1> to vector<1x2048xi1>
    %and3A = arith.andi %slice3A, %slice3A_106 : vector<1x2048xi1>
    %slice3A_107 = vector.extract_strided_slice %lt3A_105 {offsets = [2, 0], sizes = [1, 2048], strides = [1, 1]} : vector<3x2048xi1> to vector<1x2048xi1>
    %and3A_108 = arith.andi %and3A, %slice3A_107 : vector<1x2048xi1>
    %slice3A_109 = vector.extract_strided_slice %max3A_24 {offsets = [15, 0], sizes = [1, 2048], strides = [1, 1]} : vector<16x2048xf32> to vector<1x2048xf32>
    %jit3A = arith.constant 0.000000e+00 : f32
    %broadcast_in_dim3A_110 = vector.broadcast %jit3A : f32 to vector<1x2048xf32>
    %select_n3A = arith.select %and3A_108, %slice3A_109, %broadcast_in_dim3A_110 : vector<1x2048xi1>, vector<1x2048xf32>
    %swap3A = arith.constant 0 : index
    %swap3A_111 = arith.constant 0 : index
    %swap3A_112 = vector.load %arg15[%swap3A, %swap3A_111] : memref<1x2048xf32, #tpu.memory_space<vmem>>, vector<1x2048xf32>
    tpu.vector_store %arg15[%swap3A, %swap3A_111], %select_n3A {strides = array<i32>} : memref<1x2048xf32, #tpu.memory_space<vmem>>, vector<1x2048xf32>,
    %jit3A_113 = arith.constant 0.000000e+00 : f32
    %broadcast_in_dim3A_114 = vector.shape_cast %and3A_108 : vector<1x2048xi1> to vector<1x2048xi1>
    %broadcast_in_dim3A_115 = vector.broadcast %broadcast_in_dim3A_114 : vector<1x2048xi1> to vector<3x2048xi1>
    %broadcast_in_dim3A_116 = vector.broadcast %jit3A_113 : f32 to vector<3x2048xf32>
    %select_n3A_117 = arith.select %broadcast_in_dim3A_115, %logistic3A_100, %broadcast_in_dim3A_116 : vector<3x2048xi1>, vector<3x2048xf32>
    %swap3A_118 = arith.constant 0 : index
    %swap3A_119 = arith.constant 0 : index
    %swap3A_120 = vector.load %arg14[%swap3A_118, %swap3A_119] : memref<3x2048xf32, #tpu.memory_space<vmem>>, vector<3x2048xf32>
    tpu.vector_store %arg14[%swap3A_118, %swap3A_119], %select_n3A_117 {strides = array<i32>} : memref<3x2048xf32, #tpu.memory_space<vmem>>, vector<3x2048xf32>,
    return
  }
  func.func @transform_0(%arg0: i32) -> (i32, i32) {
    %c0_i32 = arith.constant 0 : i32
    %c0_i32_0 = arith.constant 0 : i32
    return %arg0, %c0_i32 : i32, i32
  }
  func.func @transform_1(%arg0: i32) -> (i32, i32) {
    %c0_i32 = arith.constant 0 : i32
    %c0_i32_0 = arith.constant 0 : i32
    return %c0_i32, %arg0 : i32, i32
  }
  func.func @transform_2(%arg0: i32) -> (i32, i32) {
    %c0_i32 = arith.constant 0 : i32
    %c0_i32_0 = arith.constant 0 : i32
    return %c0_i32, %arg0 : i32, i32
  }
  func.func @transform_3(%arg0: i32) -> (i32, i32) {
    %c0_i32 = arith.constant 0 : i32
    %c0_i32_0 = arith.constant 0 : i32
    %c0_i32_1 = arith.constant 0 : i32
    return %c0_i32, %c0_i32_0 : i32, i32
  }
  func.func @transform_4(%arg0: i32) -> (i32, i32) {
    %c0_i32 = arith.constant 0 : i32
    %c0_i32_0 = arith.constant 0 : i32
    %c0_i32_1 = arith.constant 0 : i32
    return %c0_i32, %c0_i32_0 : i32, i32
  }
  func.func @transform_5(%arg0: i32) -> (i32, i32) {
    %c0_i32 = arith.constant 0 : i32
    %c0_i32_0 = arith.constant 0 : i32
    %c0_i32_1 = arith.constant 0 : i32
    return %c0_i32, %c0_i32_0 : i32, i32
  }
  func.func @transform_6(%arg0: i32) -> (i32, i32) {
    %c0_i32 = arith.constant 0 : i32
    %c0_i32_0 = arith.constant 0 : i32
    %c0_i32_1 = arith.constant 0 : i32
    return %c0_i32, %c0_i32_0 : i32, i32
  }
  func.func @transform_7(%arg0: i32) -> (i32, i32) {
    %c0_i32 = arith.constant 0 : i32
    %c0_i32_0 = arith.constant 0 : i32
    %c0_i32_1 = arith.constant 0 : i32
    return %c0_i32, %c0_i32_0 : i32, i32
  }
  func.func @transform_8(%arg0: i32) -> (i32, i32) {
    %c0_i32 = arith.constant 0 : i32
    %c0_i32_0 = arith.constant 0 : i32
    %c0_i32_1 = arith.constant 0 : i32
    return %c0_i32, %c0_i32_0 : i32, i32
  }
  func.func @transform_9(%arg0: i32) -> (i32, i32) {
    %c0_i32 = arith.constant 0 : i32
    %c0_i32_0 = arith.constant 0 : i32
    %c0_i32_1 = arith.constant 0 : i32
    return %c0_i32, %c0_i32_0 : i32, i32
  }
  func.func @transform_10(%arg0: i32) -> (i32, i32) {
    %c0_i32 = arith.constant 0 : i32
    %c0_i32_0 = arith.constant 0 : i32
    %c0_i32_1 = arith.constant 0 : i32
    return %c0_i32, %c0_i32_0 : i32, i32
  }
  func.func @transform_11(%arg0: i32) -> (i32, i32) {
    %c0_i32 = arith.constant 0 : i32
    %c0_i32_0 = arith.constant 0 : i32
    %c0_i32_1 = arith.constant 0 : i32
    return %c0_i32, %c0_i32_0 : i32, i32
  }
  func.func @transform_12(%arg0: i32) -> (i32, i32) {
    %c0_i32 = arith.constant 0 : i32
    %c0_i32_0 = arith.constant 0 : i32
    %c0_i32_1 = arith.constant 0 : i32
    return %c0_i32, %c0_i32_0 : i32, i32
  }
  func.func @transform_13(%arg0: i32) -> (i32, i32) {
    %c0_i32 = arith.constant 0 : i32
    %c0_i32_0 = arith.constant 0 : i32
    return %c0_i32, %arg0 : i32, i32
  }
  func.func @transform_14(%arg0: i32) -> (i32, i32) {
    %c0_i32 = arith.constant 0 : i32
    %c0_i32_0 = arith.constant 0 : i32
    return %c0_i32, %arg0 : i32, i32
  }
}

</mosaic_0001>

<sc_bundles>
// kernel: kernel.4.cloned.1.call-start
scs
__scs_entry_jumppad:
0x0: {  	(pc) =	sbr.rel $0x88, $3  }
0x1: {  	(tag) =	ssettag $0x0;
	lr =	simm.s32 $0x1  }
0x2: {  	[smem:$0x3F92] =	sst lr;
	_ =	strace $0xD0000000  }
0x3: {  	_ = 	snop  }
0x4: {  	_ = 	snop  }
0x5: {  	_ = 	snop  }
0x6: {  	_ = 	snop  }
0x7: {  	_ = 	snop  }
__scs_overlays_trampoline_lowered:
0x8: {  	[smem:$0x3FA1] =	sst s0  }
0x9: {  	[smem:$0x3FA2] =	sst s1  }
0xa: {  	[smem:$0x3FA3] =	sst s2  }
0xb: {  	[smem:$0x3FA4] =	sst s3  }
0xc: {  	[smem:$0x3FA5] =	sst s4  }
0xd: {  	[smem:$0x3FA6] =	sst s5  }
0xe: {  	[smem:$0x3FA7] =	sst s6  }
0xf: {  	[smem:$0x3FA8] =	sst s7  }
0x10: {  	[smem:$0x3FA9] =	sst s8  }
0x11: {  	[smem:$0x3FAA] =	sst s9;
	s0 =	simm.s32 @!p0 $0x0  }
0x12: {  	s1 =	sld [smem:$0x3F90];
	s0 =	simm.s32 @p0 $0x1  }
0x13: {  	[smem:$0x3FAB] =	sst s0;
	s0 =	simm.s32 @!p1 $0x0  }
0x14: {  	s2 =	sld [smem:$0x3F8F];
	s0 =	simm.s32 @p1 $0x1  }
0x15: {  	[smem:$0x3FAC] =	sst s0;
	s0 =	simm.s32 @!p2 $0x0  }
0x16: {  	s3 =	sld [smem:$0x3FDB];
	s0 =	simm.s32 @p2 $0x1  }
0x17: {  	s4 =	simm.s32 $0x1BF5;
	[smem:$0x3FAE] =	sst s0  }
0x18: {  	s0 =	sld [smem:$0x3F91];
	_ =	swait.ge [sflag:s4], $0x0  }
0x19: {  	s7 =	sld [smem:$0x3F92]  }
0x1a: {  	s8 =	sadd.s32 $0xFFFFE003, lr  }
0x1b: {  	s9 =	sadd.s32 $0xFFFFFEF7, lr;
	s5 =	simm.s32 $0xFFFFFFFF;
	p2 =	slt.u32 s8, $0xFFFFF086  }
0x1c: {  	p1 =	slt.u32 s9, $0xF7A;
	s5 =	simm.s32 @!p2 $0x0  }
0x1d: {  	s5 =	simm.s32 @p1 $0x1;
	p0 =	seq.s32 s7, s2  }
0x1e: {  	s7 =	smul.u32 @!p0 $0xF7A, s2;
	p2 =	seq.s32 @!p0 s5, $0x0  }
0x1f: {  	s9 =	smul.u32 $0xF7A, s1;
	s8 =	simm.s32 @!p0 $0x1BF5;
	p2 =	por !p2, p0  }
0x20: {  	[sflag:s8] =	ssyncset.s32 @!p0 $0xFFFFF086;
	s6 =	sadd.s32 @!p0 s3, s7;
	s7 =	simm.s32 @!p0 $0x108  }
0x21: {  	s3 =	sadd.s32 s3, s9;
	s6 =	sadd.s32 @!p0 $0x88, s6;
	s7 =	simm.s32 @p2 $0x1082  }
0x22: {  	[simem:s7], [sflag:s8] =	dma.local @!p0 [hbm:s6], $0xF7A  }
0x23: {  	s9 =	sor.u32 $0xD0000000, s2;
	s6 =	simm.s32 $0x108;
	_ =	swait.ge @!p0 [sflag:s8], $0x0  }
0x24: {  	s3 =	sadd.s32 $0x88, s3;
	s6 =	simm.s32 @!p1 $0x1082;
	[sflag:s4] =	ssyncset.s32 $0xFFFFF086  }
0x25: {  	[simem:s6], [sflag:s4] =	dma.local [hbm:s3], $0xF7A  }
0x26: {  	[smem:$0x3F92] =	sst s1;
	(tag) =	ssettag s2;
	_ =	strace s9  }
0x27: {  	s1 =	sld [smem:$0x3FA2]  }
0x28: {  	s2 =	sld [smem:$0x3FA3]  }
0x29: {  	s4 =	sld [smem:$0x3FA5]  }
0x2a: {  	p0 =	seq.s32 s5, $0x0;
	s5 =	sld [smem:$0x3FA6]  }
0x2b: {  	s6 =	sld [smem:$0x3FA7]  }
0x2c: {  	s7 =	sld [smem:$0x3FA8]  }
0x2d: {  	s3 =	simm.s32 $0x108;
	s8 =	sld [smem:$0x3FA9]  }
0x2e: {  	s3 =	simm.s32 @!p0 $0x1082;
	s9 =	sld [smem:$0x3FAA]  }
0x2f: {  	lr =	sadd.s32 s0, s3;
	s0 =	sld [smem:$0x3FA1]  }
0x30: {  	s3 =	sld [smem:$0x3FA4]  }
0x31: {  	[smem:$0x3FAD] =	sst s10  }
0x32: {  	s10 =	sld [smem:$0x3FAB];
	_ =	sdelay $0x3  }
0x33: {  	p0 =	seq.s32 s10, $0x1;
	s10 =	sld [smem:$0x3FAD];
	_ =	sdelay $0x3  }
0x34: {  	[smem:$0x3FAD] =	sst s10  }
0x35: {  	s10 =	sld [smem:$0x3FAC];
	_ =	sdelay $0x3  }
0x36: {  	p1 =	seq.s32 s10, $0x1;
	s10 =	sld [smem:$0x3FAD];
	_ =	sdelay $0x3  }
0x37: {  	[smem:$0x3FAD] =	sst s10  }
0x38: {  	s10 =	sld [smem:$0x3FAE]  }
0x39: {  	_ = 	snop;
	(pc) =	sbr.ind lr, $3  }
0x3a: {  	_ = 	snop  }
0x3b: {  	_ = 	snop  }
0x3c: {  	p2 =	seq.s32 s10, $0x1;
	s10 =	sld [smem:$0x3FAD]  }
0x3d: {  	_ =	shalt  }
0x3e: {  	_ =	shalt  }
0x3f: {  	_ =	shalt  }
0x40: {  	_ =	shalt  }
0x41: {  	_ =	shalt  }
0x42: {  	_ =	shalt  }
0x43: {  	_ =	shalt  }
0x44: {  	_ =	shalt  }
0x45: {  	_ =	shalt  }
0x46: {  	_ =	shalt  }
0x47: {  	_ =	shalt  }
0x48: {  	_ =	shalt  }
0x49: {  	_ =	shalt  }
0x4a: {  	_ =	shalt  }
0x4b: {  	_ =	shalt  }
0x4c: {  	_ =	shalt  }
0x4d: {  	_ =	shalt  }
0x4e: {  	_ =	shalt  }
0x4f: {  	_ =	shalt  }
0x50: {  	_ =	shalt  }
0x51: {  	_ =	shalt  }
0x52: {  	_ =	shalt  }
0x53: {  	_ =	shalt  }
0x54: {  	_ =	shalt  }
0x55: {  	_ =	shalt  }
0x56: {  	_ =	shalt  }
0x57: {  	_ =	shalt  }
0x58: {  	_ =	shalt  }
0x59: {  	_ =	shalt  }
0x5a: {  	_ =	shalt  }
0x5b: {  	_ =	shalt  }
0x5c: {  	_ =	shalt  }
0x5d: {  	_ =	shalt  }
0x5e: {  	_ =	shalt  }
0x5f: {  	_ =	shalt  }
0x60: {  	_ =	shalt  }
0x61: {  	_ =	shalt  }
0x62: {  	_ =	shalt  }
0x63: {  	_ =	shalt  }
0x64: {  	_ =	shalt  }
0x65: {  	_ =	shalt  }
0x66: {  	_ =	shalt  }
0x67: {  	_ =	shalt  }
0x68: {  	_ =	shalt  }
0x69: {  	_ =	shalt  }
0x6a: {  	_ =	shalt  }
0x6b: {  	_ =	shalt  }
0x6c: {  	_ =	shalt  }
0x6d: {  	_ =	shalt  }
0x6e: {  	_ =	shalt  }
0x6f: {  	_ =	shalt  }
0x70: {  	_ =	shalt  }
0x71: {  	_ =	shalt  }
0x72: {  	_ =	shalt  }
0x73: {  	_ =	shalt  }
0x74: {  	_ =	shalt  }
0x75: {  	_ =	shalt  }
0x76: {  	_ =	shalt  }
0x77: {  	_ =	shalt  }
0x78: {  	_ =	shalt  }
0x79: {  	_ =	shalt  }
0x7a: {  	_ =	shalt  }
0x7b: {  	_ =	shalt  }
0x7c: {  	_ =	shalt  }
0x7d: {  	_ =	shalt  }
0x7e: {  	_ =	shalt  }
0x7f: {  	_ =	shalt  }
0x80: {  	_ =	shalt  }
0x81: {  	_ =	shalt  }
0x82: {  	_ =	shalt  }
0x83: {  	_ =	shalt  }
0x84: {  	_ =	shalt  }
0x85: {  	_ =	shalt  }
0x86: {  	_ =	shalt  }
0x87: {  	_ =	shalt  }
.Lfunc_end0:
.L_simem_size_0:
called_computation_lowered:
.L_overlay_start_0:
0x88: {  	s2 =	sld [smem:$0x3FD9]  }
0x89: {  	s3 =	sld [smem:$0x3FFE];
	_ =	sdelay $0x1  }
0x8a: {  	s1 =	srdreg.scid  }
0x8b: {  	s0 =	sand.u32 $0x1, s1  }
0x8c: {  	s14 =	sshll.u32 s0, $0xA;
	s2 =	sadd.s32 s3, s2  }
0x8d: {  	s2 =	sadd.s32 s2, s14  }
0x8e: {  	[smem:$0x3FB9] =	sst s2  }
0x8f: {  	_ = 	snop  }
0x90: {  	s2 =	sld [smem:$0x3FD0];
	_ =	sdelay $0x2  }
0x91: {  	s15 =	simm.s32 $0xA;
	s4 =	simm.s32 $0x10  }
0x92: {  	[smem:s4], [sflag:s15] =	dma.local [hbm:s2], $0x1  }
0x93: {  	_ =	swait.eq [sflag:s15], $0x1  }
0x94: {  	[sflag:s15] =	ssyncset.done $0x0  }
0x95: {  	s16 =	sld [smem:$0x10];
	[sflag:s15] =	ssyncadd.s32 $0xFFFFFFFF  }
0x96: {  	s17 =	sld [smem:$0x11];
	(tm) =	ssettm $0x1  }
0x97: {  	s18 =	sld [smem:$0x3FFB];
	_ =	sdelay $0x3  }
0x98: {  	_ =	strace s18  }
0x99: {  	s4 =	sld [smem:$0x3FFC];
	_ =	sdelay $0x3  }
0x9a: {  	_ =	strace s4  }
0x9b: {  	s4 =	sld [smem:$0x3FFD];
	_ =	sdelay $0x3  }
0x9c: {  	_ =	strace s4  }
0x9d: {  	_ =	strace $0x8FFFFFFF  }
0x9e: {  	s19 =	sld [smem:$0x3FDB];
	_ =	sdelay $0x1  }
0x9f: {  	s5 =	simm.s32 $_scs_section_size  }
0xa0: {  	s6 =	simm.s32 $_size__tile_overlayer_lowered;
	s7 =	simm.s32 $_tile_overlayer_lowered  }
0xa1: {  	s22 =	simm.s32 $0x1BFF;
	s21 =	sshll.u32 s7, $0x1;
	s4 =	sadd.s32 s5, s19  }
0xa2: {  	s8 =	simm.s32 $0x0;
	s20 =	sshll.u32 s6, $0x1;
	s6 =	sadd.s32 s21, s4  }
0xa3: {  	[timem:s8], [sflag:s22] =	dma.local [hbm:s6], s20  }
0xa4: {  	_ =	swait.ge [sflag:s22], s20  }
0xa5: {  	s5 =	ssub.s32 $0x0, s20;
	[sflag:s22] =	ssyncset.done $0x0  }
0xa6: {  	[sflag:s22] =	ssyncadd.s32 s5;
	_ =	sdelay $0x1  }
0xa7: {  	s23 =	simm.s32 $0x1B8B  }
0xa8: {  	_ =	swait.ge [sflag:s23], $0x1  }
0xa9: {  	[sflag:s23] =	ssyncset.done $0x0  }
0xaa: {  	s25 =	simm.s32 $0x1B8E;
	s24 =	sld [smem:$0x3FFE];
	[sflag:s23] =	ssyncadd.s32 $0xFFFFFFFF  }
0xab: {  	s26 =	simm.s32 $execute0_lowered;
	[smem:$0x3FD2] =	sst s25  }
0xac: {  	s6 =	sshll.u32 s26, $0x1;
	_ =	strace $0x80000046;
	[dreg:$0x1] =	wrdreg $0xFFFFFFFF  }
0xad: {  	s28 =	simm.s32 $_size_execute0_lowered;
	s4 =	sadd.s32 s4, s6;
	[dreg:$0x0] =	wrdreg $0x0  }
0xae: {  	s6 =	sshll.u32 s28, $0x1;
	[dreg:$0x2] =	wrdreg s4  }
0xaf: {  	[dreg:$0x3] =	wrdreg s6  }
0xb0: {  	[dreg:$0x4] =	wrdreg $0xC0  }
0xb1: {  	_ =	task [dreg:s8], $0x5FFFF  }
0xb2: {  	[dreg:$0x1] =	wrdreg $0xFFFFFFFF  }
0xb3: {  	[dreg:$0x0] =	wrdreg $0x60  }
0xb4: {  	[dreg:$0x2] =	wrdreg s24  }
0xb5: {  	[dreg:$0x3] =	wrdreg s16  }
0xb6: {  	[dreg:$0x4] =	wrdreg s17  }
0xb7: {  	[dreg:$0x5] =	wrdreg $0x9  }
0xb8: {  	_ =	task.clear_ibuf [dreg:s8], $0x6FFFF;
	_ =	strace $0x90000046  }
0xb9: {  	s29 =	simm.s32 $0x9;
	_ =	strace $0x80000048  }
0xba: {  	_ =	swait.ge [sflag:s29], $0x1  }
0xbb: {  	[sflag:s29] =	ssyncadd.s32 $0xFFFFFFFF  }
0xbc: {  	_ =	strace $0x90000048  }
0xbd: {  	_ =	sfence  }
0xbe: {  	s30 =	sld [smem:$0x0];
	_ =	sdelay $0x2  }
0xbf: {  	s31 =	sshll.u32 s1, $0xD;
	s1 =	sshrl.u32 s1, $0x2  }
0xc0: {  	s3 =	sand.u32 $0x4000, s31;
	s1 =	sadd.s32 s1, s30  }
0xc1: {  	s0 =	sor.u32 s3, s0;
	s1 =	sshll.u32 s1, $0x11  }
0xc2: {  	s0 =	sor.u32 s1, s0  }
0xc3: {  	s0 =	sadd.s32 $0x8F2B, s0  }
0xc4: {  	[sflag:s0] =	ssyncadd.remote.s32 $0x1  }
0xc5: {  	_ =	sfence.sel $0xFFFF  }
0xc6: {  	[dreg:$0x0] =	wrdreg $0xFFFFFFFF;
	(pc) =	sbr.abs _section_cstart, $3  }
0xc7: {  	[dreg:$0x1] =	wrdreg $0xFFFFFFFF  }
0xc8: {  	_ =	task.clear_ibuf [dreg:s8], $0x2FFFF;
	_ =	strace $0x9FFFFFFF  }
0xc9: {  	(tm) =	ssettm $0x7FFFFFFF  }
tec
execute0_lowered:
.L_overlay_start_1:
0x0: {  	(tag) =	ssettag $0x1  }
0x1: {  	s0 =	rddreg [dreg:$0x0]  }
0x2: {  	s3 =	simm.s32 $0x0;
	s1 =	srdreg.scid;
	s9 =	stileid.u32  }
0x3: {  	s12 =	simm.s32 $0x1000;
	s13 =	simm.s32 $0x2000;
	s14 =	simm.s32 $0x3  }
0x4: {  	s15 =	simm.s32 $0x80;
	s16 =	simm.s32 $0x3000;
	s17 =	simm.s32 $0x5000  }
0x5: {  	s18 =	simm.s32 $0x4000;
	s19 =	simm.s32 $0x8000;
	s20 =	simm.s32 $0xB000  }
0x6: {  	s21 =	simm.s32 $0xE000;
	s22 =	simm.s32 $0x11000;
	s23 =	simm.s32 $0x14000  }
0x7: {  	s24 =	simm.s32 $0x1;
	s25 =	simm.s32 $0x17000;
	s26 =	simm.s32 $0x1A000  }
0x8: {  	s28 =	simm.s32 $0x2;
	[smem:$0x7FF] =	sst s3;
	s1 =	sand.u32 $0x1, s1  }
0x9: {  	s4 =	sadd.s32 $0x2400, s0;
	s6 =	sadd.s32 $0xA12400, s0;
	s2 =	ssub.s32 $0x2, s1  }
0xa: {  	s7 =	sadd.s32 $0x712400, s0;
	s8 =	sadd.s32 $0x412400, s0;
	s5 =	sshrl.u32 s2, $0x1  }
0xb: {  	s10 =	sshll.u32 s9, $0xF;
	s9 =	sadd.s32 $0xD12400, s0;
	s31 =	ssub.s32 s2, s5  }
0xc: {  	_ =	strace $0x80000047;
	s1 =	sshll.u32 s1, $0xE;
	s0 =	smax.u32 s31, $0x1  }
0xd: {  	s10 =	sor.u32 s1, s10;
	s1 =	simm.s32 $0x0;
	[dreg:$0x4] =	wrdreg s0  }
.LBB2_1:
0xe: {  	[dreg:$0x5] =	wrdreg s1;
	s30 =	simm.s32 $0x0  }
.LBB2_2:
0xf: {  	s0 =	sshll.u32 s30, $0xC  }
0x10: {  	s31 =	sadd.s32 s10, s0  }
0x11: {  	s0 =	sshrl.u32 s31, $0x3  }
0x12: {  	s2 =	simm.s32 $0x0;
	s5 =	rddreg [dreg:$0x1];
	s1 =	sadd.s32 s4, s0  }
0x13: {  	[tilespmem:s2], [sflag:$0x3] =	stream.linear.gather [hbm4b:s1+s2], $0x1000, $0x38;
	[tilespmem:$0x1D000] =	vst v63  }
0x14: {  	s11 =	rddreg [dreg:$0x2];
	s1 =	sadd.s32 s5, s0  }
0x15: {  	[tilespmem:s12], [sflag:$0x3] =	stream.linear.gather [hbm4b:s1+s2], $0x1000, $0x38;
	[tilespmem:$0x1D000] =	vst v63  }
0x16: {  	s0 =	sadd.s32 s11, s0  }
0x17: {  	[tilespmem:s13], [sflag:$0x3] =	stream.linear.gather [hbm4b:s0+s2], $0x1000, $0x38;
	[tilespmem:$0x1D000] =	vst v63  }
0x18: {  	_ =	swait.ge [sflag:s14], $0x1000  }
0x19: {  	[sflag:s14] =	ssyncset.done $0x0  }
0x1a: {  	[sflag:s14] =	ssyncadd.s32 $0xFFFFF000  }
0x1b: {  	_ =	swait.ge [sflag:s14], $0x1000  }
0x1c: {  	[sflag:s14] =	ssyncset.done $0x0  }
0x1d: {  	[sflag:s14] =	ssyncadd.s32 $0xFFFFF000  }
0x1e: {  	_ =	swait.ge [sflag:s14], $0x1000  }
0x1f: {  	[sflag:s14] =	ssyncset.done $0x0  }
0x20: {  	s0 =	simm.s32 $0x0;
	[sflag:s14] =	ssyncadd.s32 $0xFFFFF000  }
0x21: {  	v0 =	vld [tilespmem:s0+$0x1000]  }
0x22: {  	v1 =	vld [tilespmem:s0+$0x2000];
	_ =	sdelay $0x3  }
0x23: {  	v0 =	vmul.f32 $5.000000000e-01, v0  }
0x24: {  	v1 =	vmul.f32 $5.000000000e-01, v1  }
0x25: {  	s5 =	simm.s32 $0x10;
	v2 =	vld [tilespmem:s0+$0x0];
	v0 =	vadd.f32 $5.000000000e-01, v0  }
0x26: {  	v3 =	vld [tilespmem:s5+$0x1000];
	v1 =	vadd.f32 $5.000000000e-01, v1  }
0x27: {  	v4 =	vld [tilespmem:s5+$0x2000];
	v0 =	vmul.f32 $5.120000000e+02, v0  }
0x28: {  	v1 =	vmul.f32 $5.120000000e+02, v1  }
0x29: {  	v0 =	vtrunc.f32 v0  }
0x2a: {  	v1 =	vtrunc.f32 v1;
	v0 =	vcvt.f32.s32 v0  }
0x2b: {  	v2 =	vmul.f32 $5.000000000e-01, v2;
	v1 =	vcvt.f32.s32 v1  }
0x2c: {  	v5 =	vld [tilespmem:s5+$0x0];
	v3 =	vmul.f32 $5.000000000e-01, v3;
	v4 =	vmul.f32 $5.000000000e-01, v4;
	vm0 =	vgt.s32 v0, $0x0  }
0x2d: {  	v2 =	vadd.f32 $5.000000000e-01, v2;
	vm12 =	vgt.s32 v1, $0x0;
	v0 =	vnsel vm0, $0x0, v0  }
0x2e: {  	v3 =	vadd.f32 $5.000000000e-01, v3;
	v1 =	vnsel vm12, $0x0, v1;
	v0 =	vmin.u32 v0, $0x1FF  }
0x2f: {  	v4 =	vadd.f32 $5.000000000e-01, v4;
	v1 =	vmin.u32 v1, $0x1FF;
	v6 =	vshll.u32 v0, $0x9  }
0x30: {  	v2 =	vmul.f32 $5.120000000e+02, v2;
	v3 =	vmul.f32 $5.120000000e+02, v3;
	v1 =	vor.u32 v1, v6  }
0x31: {  	s11 =	simm.s32 $0x20;
	v5 =	vmul.f32 $5.000000000e-01, v5;
	v4 =	vmul.f32 $5.120000000e+02, v4;
	[tilespmem:s0+$0x4000] =	vst v1  }
0x32: {  	v2 =	vtrunc.f32 v2;
	v3 =	vtrunc.f32 v3;
	v1 =	vld [tilespmem:s11+$0x1000]  }
0x33: {  	v5 =	vadd.f32 $5.000000000e-01, v5;
	v4 =	vtrunc.f32 v4;
	v2 =	vcvt.f32.s32 v2;
	v6 =	vld [tilespmem:s11+$0x2000]  }
0x34: {  	v3 =	vcvt.f32.s32 v3;
	v4 =	vcvt.f32.s32 v4  }
0x35: {  	v5 =	vmul.f32 $5.120000000e+02, v5;
	vm13 =	vgt.s32 v2, $0x0;
	v7 =	vld [tilespmem:s11+$0x0]  }
0x36: {  	vm14 =	vgt.s32 v3, $0x0;
	vm15 =	vgt.s32 v4, $0x0;
	v2 =	vnsel vm13, $0x0, v2  }
0x37: {  	v8 =	vmin.u32 v2, $0x1FF;
	v2 =	vmul.f32 $5.000000000e-01, v1;
	v1 =	vnsel vm14, $0x0, v3  }
0x38: {  	v4 =	vnsel vm15, $0x0, v4;
	v3 =	vmul.f32 $5.000000000e-01, v6;
	v1 =	vmin.u32 v1, $0x1FF  }
0x39: {  	v4 =	vmin.u32 v4, $0x1FF;
	v6 =	vadd.f32 $5.000000000e-01, v2;
	v9 =	vshll.u32 v1, $0x9  }
0x3a: {  	v2 =	vmul.f32 $5.000000000e-01, v7;
	v3 =	vadd.f32 $5.000000000e-01, v3;
	v4 =	vor.u32 v4, v9  }
0x3b: {  	s29 =	simm.s32 $0x30;
	s1 =	simm.s32 $0x100;
	v5 =	vtrunc.f32 v5;
	v6 =	vmul.f32 $5.120000000e+02, v6;
	[tilespmem:s5+$0x4000] =	vst v4;
	v4 =	vshll.u32 v8, $0x9  }
.LBB2_3:
0x3c: {  	p0 =	sne.s32 s1, $0x3FC0;
	v7 =	vld [tilespmem:s29+$0x1000];
	v2 =	vadd.f32 $5.000000000e-01, v2;
	v3 =	vmul.f32 $5.120000000e+02, v3;
	v5 =	vcvt.f32.s32 v5  }
0x3d: {  	v4 =	vor.u32 v0, v4;
	v0 =	vmov v1;
	v8 =	vld [tilespmem:s29+$0x2000];
	v6 =	vtrunc.f32 v6  }
0x3e: {  	v9 =	vld [tilespmem:s29+$0x0];
	v1 =	vcvt.f32.s32 v6;
	v3 =	vtrunc.f32 v3;
	vm0 =	vgt.s32 v5, $0x0;
	[tilespmem:s0+$0x3000] =	vst v4;
	s0 =	smov.u32 s5;
	s5 =	smov.u32 s11;
	s11 =	smov.u32 s29  }
0x3f: {  	v4 =	vmul.f32 $5.120000000e+02, v2;
	v2 =	vcvt.f32.s32 v3;
	v3 =	vnsel vm0, $0x0, v5  }
0x40: {  	vm0 =	vgt.s32 v1, $0x0;
	v10 =	vmin.u32 v3, $0x1FF  }
.Ltmp0:
0x41: {  	v3 =	vmul.f32 $5.000000000e-01, v7;
	v1 =	vnsel vm0, $0x0, v1;
	vm0 =	vgt.s32 v2, $0x0;
	(pc) =	sbr.rel @p0 .LBB2_3-.Ltmp0, $4  }
0x42: {  	v5 =	vmul.f32 $5.000000000e-01, v8;
	v1 =	vmin.u32 v1, $0x1FF;
	v2 =	vnsel vm0, $0x0, v2  }
0x43: {  	v6 =	vadd.f32 $5.000000000e-01, v3;
	v7 =	vmin.u32 v2, $0x1FF;
	v8 =	vshll.u32 v1, $0x9  }
0x44: {  	v2 =	vmul.f32 $5.000000000e-01, v9;
	v3 =	vadd.f32 $5.000000000e-01, v5;
	v7 =	vor.u32 v7, v8  }
0x45: {  	s29 =	sshra.s32 s1, $0x2;
	s1 =	sadd.s32 $0x40, s1;
	v5 =	vtrunc.f32 v4;
	v4 =	vshll.u32 v10, $0x9;
	v6 =	vmul.f32 $5.120000000e+02, v6;
	[tilespmem:s5+$0x4000] =	vst v7  }
0x46: {  	v7 =	vld [tilespmem:s29+$0x1000];
	v3 =	vmul.f32 $5.120000000e+02, v3  }
0x47: {  	v8 =	vld [tilespmem:s29+$0x2000];
	v2 =	vadd.f32 $5.000000000e-01, v2;
	v5 =	vcvt.f32.s32 v5;
	v6 =	vtrunc.f32 v6  }
0x48: {  	v9 =	vld [tilespmem:s29+$0x0];
	v0 =	vor.u32 v0, v4;
	v6 =	vcvt.f32.s32 v6  }
0x49: {  	v3 =	vtrunc.f32 v3;
	vm11 =	vgt.s32 v5, $0x0;
	v2 =	vmul.f32 $5.120000000e+02, v2  }
0x4a: {  	v3 =	vcvt.f32.s32 v3;
	v5 =	vnsel vm11, $0x0, v5;
	vm0 =	vgt.s32 v6, $0x0  }
0x4b: {  	v2 =	vtrunc.f32 v2;
	v5 =	vmin.u32 v5, $0x1FF;
	v49 =	vmul.f32 $5.000000000e-01, v7  }
0x4c: {  	v6 =	vnsel vm0, $0x0, v6;
	vm10 =	vgt.s32 v3, $0x0;
	v50 =	vmul.f32 $5.000000000e-01, v8  }
0x4d: {  	v9 =	vmul.f32 $5.000000000e-01, v9;
	v2 =	vcvt.f32.s32 v2;
	v4 =	vadd.f32 $5.000000000e-01, v49  }
0x4e: {  	v5 =	vshll.u32 v5, $0x9;
	v3 =	vnsel vm10, $0x0, v3;
	v7 =	vadd.f32 $5.000000000e-01, v50  }
0x4f: {  	v6 =	vmin.u32 v6, $0x1FF;
	v52 =	vadd.f32 $5.000000000e-01, v9;
	v4 =	vmul.f32 $5.120000000e+02, v4  }
0x50: {  	v1 =	vor.u32 v1, v5;
	v3 =	vmin.u32 v3, $0x1FF;
	v7 =	vmul.f32 $5.120000000e+02, v7  }
0x51: {  	v51 =	vshll.u32 v6, $0x9;
	v8 =	vmul.f32 $5.120000000e+02, v52;
	v4 =	vtrunc.f32 v4  }
0x52: {  	vm12 =	vgt.s32 v2, $0x0;
	v53 =	vtrunc.f32 v7;
	v4 =	vcvt.f32.s32 v4  }
0x53: {  	v3 =	vor.u32 v3, v51;
	v54 =	vtrunc.f32 v8;
	v5 =	vcvt.f32.s32 v53  }
0x54: {  	v2 =	vnsel vm12, $0x0, v2;
	v7 =	vcvt.f32.s32 v54;
	vm13 =	vgt.s32 v4, $0x0  }
0x55: {  	v2 =	vmin.u32 v2, $0x1FF;
	vm14 =	vgt.s32 v5, $0x0;
	v4 =	vnsel vm13, $0x0, v4  }
0x56: {  	[tilespmem:s0+$0x3000] =	vst v0;
	vm15 =	vgt.s32 v7, $0x0;
	v56 =	vnsel vm14, $0x0, v5;
	v55 =	vmin.u32 v4, $0x1FF  }
0x57: {  	[tilespmem:s11+$0x4000] =	vst v3;
	v59 =	vnsel vm15, $0x0, v7;
	v57 =	vmin.u32 v56, $0x1FF;
	v58 =	vshll.u32 v55, $0x9  }
0x58: {  	[tilespmem:s5+$0x3000] =	vst v1;
	v2 =	vshll.u32 v2, $0x9;
	v61 =	vmin.u32 v59, $0x1FF;
	v60 =	vor.u32 v57, v58  }
0x59: {  	v62 =	vor.u32 v6, v2;
	v63 =	vshll.u32 v61, $0x9;
	[tilespmem:s29+$0x4000] =	vst v60  }
0x5a: {  	v0 =	vor.u32 v55, v63;
	[tilespmem:s11+$0x3000] =	vst v62  }
0x5b: {  	[tilespmem:s29+$0x3000] =	vst v0  }
0x5c: {  	[tilespmem:s17], [sflag:$0x1] =	stream.indirect.gather [hbm4b:s6+s15], $0x60, s16, s15, $0xb8;
	[tilespmem:$0x1D000] =	vst v63  }
0x5d: {  	_ = 	snop  }
0x5e: {  	[tilespmem:s19], [sflag:$0x1] =	stream.indirect.gather [hbm4b:s7+s15], $0x60, s18, s15, $0xb8;
	[tilespmem:$0x1D000] =	vst v63  }
0x5f: {  	s0 =	simm.s32 $0x0  }
0x60: {  	[tilespmem:s20], [sflag:$0x1] =	stream.indirect.gather [hbm4b:s8+s15], $0x60, s18, s15, $0xb8;
	[tilespmem:$0x1D000] =	vst v63  }
.LBB2_5:
0x61: {  	s11 =	sshll.u32 s0, $0x8  }
0x62: {  	s1 =	sadd.s32 $0x3080, s11  }
0x63: {  	[tilespmem:s21], [sflag:$0x1] =	stream.indirect.gather [hbm4b:s6+s15], $0x60, s1, s15, $0xb8;
	[tilespmem:$0x1D000] =	vst v63  }
0x64: {  	s5 =	sadd.s32 $0x4080, s11  }
0x65: {  	[tilespmem:s22], [sflag:$0x1] =	stream.indirect.gather [hbm4b:s7+s15], $0x60, s5, s15, $0xb8;
	[tilespmem:$0x1D000] =	vst v63  }
0x66: {  	_ = 	snop  }
0x67: {  	[tilespmem:s23], [sflag:$0x1] =	stream.indirect.gather [hbm4b:s8+s15], $0x60, s5, s15, $0xb8;
	[tilespmem:$0x1D000] =	vst v63  }
0x68: {  	_ =	swait.ge [sflag:s24], $0x3000  }
0x69: {  	[sflag:s24] =	ssyncset.done $0x0  }
0x6a: {  	[sflag:s24] =	ssyncadd.s32 $0xFFFFD000  }
0x6b: {  	_ =	swait.ge [sflag:s24], $0x3000  }
0x6c: {  	[sflag:s24] =	ssyncset.done $0x0  }
0x6d: {  	[sflag:s24] =	ssyncadd.s32 $0xFFFFD000  }
0x6e: {  	_ =	swait.ge [sflag:s24], $0x3000  }
0x6f: {  	p0 =	seq.s32 s0, $0x0;
	[sflag:s24] =	ssyncset.done $0x0  }
0x70: {  	s1 =	simm.s32 @!p0 $0x2;
	[sflag:s24] =	ssyncadd.s32 $0xFFFFD000  }
0x71: {  	_ =	swait.ge @!p0 [sflag:s1], $0x3000  }
0x72: {  	[sflag:s1] =	ssyncset.done @!p0 $0x0  }
0x73: {  	s29 =	simm.s32 $0x0;
	[sflag:s1] =	ssyncadd.s32 @!p0 $0xFFFFD000  }
0x74: {  	v0 =	vld [tilespmem:s29+$0x5050]  }
0x75: {  	v1 =	vld [tilespmem:s29+$0x8050]  }
0x76: {  	v2 =	vld [tilespmem:s29+$0x5000]  }
0x77: {  	v3 =	vld [tilespmem:s29+$0xB050]  }
0x78: {  	v4 =	vld [tilespmem:s29+$0x8000]  }
0x79: {  	v6 =	vld [tilespmem:s29+$0x5010]  }
0x7a: {  	v7 =	vld [tilespmem:s29+$0x8010]  }
0x7b: {  	v9 =	vld [tilespmem:s29+$0x5020]  }
0x7c: {  	v10 =	vld [tilespmem:s29+$0x8020]  }
0x7d: {  	v11 =	vld [tilespmem:s29+$0x5030];
	v0 =	vmul.f32 v1, v0  }
0x7e: {  	v12 =	vld [tilespmem:s29+$0x8030]  }
0x7f: {  	v13 =	vld [tilespmem:s29+$0x8040];
	v0 =	vmul.f32 v3, v0  }
0x80: {  	v14 =	vld [tilespmem:s29+$0xB000]  }
0x81: {  	[tilespmem:s29+$0x17050] =	vst v0;
	v0 =	vld [tilespmem:s29+$0x5040]  }
0x82: {  	v8 =	vld [tilespmem:s29+$0xB010]  }
0x83: {  	v5 =	vld [tilespmem:s29+$0xB020]  }
0x84: {  	v15 =	vmul.f32 v4, v2;
	v1 =	vmul.f32 v7, v6;
	v3 =	vld [tilespmem:s29+$0xB030]  }
0x85: {  	s1 =	simm.s32 $0x60;
	v4 =	vmul.f32 v10, v9;
	v2 =	vmul.f32 v12, v11;
	v6 =	vld [tilespmem:s29+$0xB040]  }
0x86: {  	s2 =	simm.s32 $0x300;
	s5 =	sor.u32 $0x80, s11;
	v9 =	vmul.f32 v14, v15;
	v7 =	vmul.f32 v13, v0;
	v0 =	vld [tilespmem:s1+$0x5050]  }
.LBB2_6:
0x87: {  	p1 =	sne.s32 s2, $0xBE80;
	v10 =	vld [tilespmem:s1+$0x8050];
	v1 =	vmul.f32 v8, v1  }
0x88: {  	v8 =	vld [tilespmem:s1+$0x5000];
	[tilespmem:s29+$0x17000] =	vst v9;
	v4 =	vmul.f32 v5, v4  }
0x89: {  	v5 =	vld [tilespmem:s1+$0xB050];
	[tilespmem:s29+$0x17010] =	vst v1;
	v1 =	vmul.f32 v3, v2  }
0x8a: {  	v2 =	vld [tilespmem:s1+$0x8000];
	[tilespmem:s29+$0x17020] =	vst v4;
	v3 =	vmul.f32 v6, v7  }
0x8b: {  	v4 =	vld [tilespmem:s1+$0x5010];
	[tilespmem:s29+$0x17030] =	vst v1  }
0x8c: {  	v1 =	vld [tilespmem:s1+$0x8010];
	v0 =	vmul.f32 v10, v0;
	[tilespmem:s29+$0x17040] =	vst v3;
	s29 =	smov.u32 s1  }
0x8d: {  	v3 =	vld [tilespmem:s29+$0x5020]  }
0x8e: {  	v6 =	vld [tilespmem:s29+$0x8020];
	v0 =	vmul.f32 v5, v0  }
0x8f: {  	v9 =	vmul.f32 v2, v8;
	v2 =	vld [tilespmem:s29+$0x5030]  }
0x90: {  	v7 =	vld [tilespmem:s29+$0x8030];
	[tilespmem:s29+$0x17050] =	vst v0  }
0x91: {  	v1 =	vmul.f32 v1, v4;
	v0 =	vld [tilespmem:s29+$0x5040]  }
0x92: {  	v10 =	vld [tilespmem:s29+$0x8040]  }
0x93: {  	v11 =	vld [tilespmem:s29+$0xB000];
	v4 =	vmul.f32 v6, v3  }
.Ltmp1:
0x94: {  	v8 =	vld [tilespmem:s29+$0xB010];
	(pc) =	sbr.rel @p1 .LBB2_6-.Ltmp1, $4  }
0x95: {  	v5 =	vld [tilespmem:s29+$0xB020];
	v2 =	vmul.f32 v7, v2  }
0x96: {  	v3 =	vld [tilespmem:s29+$0xB030]  }
0x97: {  	s1 =	sshra.s32 s2, $0x2;
	v7 =	vmul.f32 v10, v0;
	v6 =	vld [tilespmem:s29+$0xB040]  }
0x98: {  	s2 =	sadd.s32 $0x180, s2;
	v0 =	vld [tilespmem:s1+$0x5050];
	v9 =	vmul.f32 v11, v9  }
0x99: {  	v10 =	vld [tilespmem:s1+$0x8050];
	v1 =	vmul.f32 v8, v1  }
0x9a: {  	v11 =	vld [tilespmem:s1+$0x5000];
	[tilespmem:s29+$0x17000] =	vst v9;
	v4 =	vmul.f32 v5, v4  }
0x9b: {  	v8 =	vld [tilespmem:s1+$0xB050];
	[tilespmem:s29+$0x17010] =	vst v1;
	v2 =	vmul.f32 v3, v2  }
0x9c: {  	v1 =	vld [tilespmem:s1+$0x8000];
	[tilespmem:s29+$0x17020] =	vst v4;
	v4 =	vmul.f32 v6, v7  }
0x9d: {  	v3 =	vld [tilespmem:s1+$0x5010];
	[tilespmem:s29+$0x17030] =	vst v2  }
0x9e: {  	v2 =	vld [tilespmem:s1+$0x8010];
	[tilespmem:s29+$0x17040] =	vst v4  }
0x9f: {  	v4 =	vld [tilespmem:s1+$0x5020]  }
0xa0: {  	v5 =	vld [tilespmem:s1+$0x8020]  }
0xa1: {  	v6 =	vld [tilespmem:s1+$0x5030]  }
0xa2: {  	v7 =	vld [tilespmem:s1+$0x8030]  }
0xa3: {  	v0 =	vmul.f32 v10, v0;
	v9 =	vld [tilespmem:s1+$0xB000]  }
0xa4: {  	v10 =	vld [tilespmem:s1+$0xB010]  }
0xa5: {  	v12 =	vld [tilespmem:s1+$0xB020];
	v0 =	vmul.f32 v8, v0  }
0xa6: {  	v8 =	vld [tilespmem:s1+$0x8040]  }
0xa7: {  	[tilespmem:s1+$0x17050] =	vst v0;
	v0 =	vld [tilespmem:s1+$0x5040]  }
0xa8: {  	v1 =	vmul.f32 v1, v11;
	v11 =	vld [tilespmem:s1+$0xB030]  }
0xa9: {  	v2 =	vmul.f32 v2, v3;
	v3 =	vld [tilespmem:s1+$0xB040]  }
0xaa: {  	v4 =	vmul.f32 v5, v4;
	v1 =	vmul.f32 v9, v1  }
0xab: {  	v5 =	vmul.f32 v7, v6;
	v2 =	vmul.f32 v10, v2  }
0xac: {  	[tilespmem:s1+$0x17000] =	vst v1;
	v1 =	vmul.f32 v12, v4;
	v0 =	vmul.f32 v8, v0  }
0xad: {  	s2 =	sadd.s32 s31, s11;
	[tilespmem:s1+$0x17010] =	vst v2;
	v2 =	vmul.f32 v11, v5  }
0xae: {  	s2 =	smul.u32 $0xC, s2;
	[tilespmem:s1+$0x17020] =	vst v1;
	v0 =	vmul.f32 v3, v0  }
0xaf: {  	[tilespmem:s1+$0x17030] =	vst v2  }
0xb0: {  	p1 =	seq.s32 s0, $0xF;
	s29 =	sadd.s32 s9, s2;
	[tilespmem:s1+$0x17040] =	vst v0  }
0xb1: {  	[hbm4b:s29+s3] =	stream.linear.scatter [tilespmem:s25], [sflag:$0x2], $0x3000, $0x38;
	[tilespmem:$0x1D000] =	vst v63  }
0xb2: {  	s2 =	simm.s32 @!p1 $0x80;
	s1 =	sadd.s32 @!p1 $0x3100, s11;
	s29 =	simm.s32 @!p1 $0x5000  }
0xb3: {  	[tilespmem:s29], [sflag:$0x1] =	stream.indirect.gather @!p1 [hbm4b:s6+s2], $0x60, s1, s2, $0xb8;
	[tilespmem:$0x1D000] =	vst v63  }
0xb4: {  	s1 =	sadd.s32 @!p1 $0x4100, s11;
	s11 =	simm.s32 @!p1 $0x8000  }
0xb5: {  	[tilespmem:s11], [sflag:$0x1] =	stream.indirect.gather @!p1 [hbm4b:s7+s2], $0x60, s1, s2, $0xb8;
	[tilespmem:$0x1D000] =	vst v63  }
0xb6: {  	s11 =	simm.s32 @!p1 $0xB000  }
0xb7: {  	[tilespmem:s11], [sflag:$0x1] =	stream.indirect.gather @!p1 [hbm4b:s8+s2], $0x60, s1, s2, $0xb8;
	[tilespmem:$0x1D000] =	vst v63  }
0xb8: {  	_ =	swait.ge [sflag:s24], $0x3000  }
0xb9: {  	[sflag:s24] =	ssyncset.done $0x0  }
0xba: {  	[sflag:s24] =	ssyncadd.s32 $0xFFFFD000  }
0xbb: {  	_ =	swait.ge [sflag:s24], $0x3000  }
0xbc: {  	[sflag:s24] =	ssyncset.done $0x0  }
0xbd: {  	[sflag:s24] =	ssyncadd.s32 $0xFFFFD000  }
0xbe: {  	_ =	swait.ge [sflag:s24], $0x3000  }
0xbf: {  	[sflag:s24] =	ssyncset.done $0x0  }
0xc0: {  	s1 =	simm.s32 @!p0 $0x2;
	[sflag:s24] =	ssyncadd.s32 $0xFFFFD000  }
0xc1: {  	_ =	swait.ge @!p0 [sflag:s1], $0x3000  }
0xc2: {  	[sflag:s1] =	ssyncset.done @!p0 $0x0  }
0xc3: {  	s11 =	simm.s32 $0x0;
	[sflag:s1] =	ssyncadd.s32 @!p0 $0xFFFFD000  }
0xc4: {  	v0 =	vld [tilespmem:s11+$0xE050]  }
0xc5: {  	v1 =	vld [tilespmem:s11+$0x11050]  }
0xc6: {  	v2 =	vld [tilespmem:s11+$0xE000]  }
0xc7: {  	v3 =	vld [tilespmem:s11+$0x14050]  }
0xc8: {  	v4 =	vld [tilespmem:s11+$0x11000]  }
0xc9: {  	v6 =	vld [tilespmem:s11+$0xE010]  }
0xca: {  	v7 =	vld [tilespmem:s11+$0x11010]  }
0xcb: {  	v9 =	vld [tilespmem:s11+$0xE020]  }
0xcc: {  	v10 =	vld [tilespmem:s11+$0x11020]  }
0xcd: {  	v11 =	vld [tilespmem:s11+$0xE030];
	v0 =	vmul.f32 v1, v0  }
0xce: {  	v63 =	vld [tilespmem:s11+$0x11030]  }
0xcf: {  	v13 =	vld [tilespmem:s11+$0x11040];
	v0 =	vmul.f32 v3, v0  }
0xd0: {  	v14 =	vld [tilespmem:s11+$0x14000]  }
0xd1: {  	[tilespmem:s11+$0x1A050] =	vst v0;
	v0 =	vld [tilespmem:s11+$0xE040]  }
0xd2: {  	v8 =	vld [tilespmem:s11+$0x14010]  }
0xd3: {  	v5 =	vld [tilespmem:s11+$0x14020]  }
0xd4: {  	v15 =	vmul.f32 v4, v2;
	v1 =	vmul.f32 v7, v6;
	v3 =	vld [tilespmem:s11+$0x14030]  }
0xd5: {  	s1 =	simm.s32 $0x60;
	v4 =	vmul.f32 v10, v9;
	v2 =	vmul.f32 v63, v11;
	v7 =	vld [tilespmem:s11+$0x14040]  }
0xd6: {  	s2 =	simm.s32 $0x300;
	v9 =	vmul.f32 v14, v15;
	v6 =	vmul.f32 v13, v0;
	v0 =	vld [tilespmem:s1+$0xE050]  }
.LBB2_8:
0xd7: {  	p0 =	sne.s32 s2, $0xBE80;
	v10 =	vld [tilespmem:s1+$0x11050];
	v1 =	vmul.f32 v8, v1  }
0xd8: {  	v8 =	vld [tilespmem:s1+$0xE000];
	[tilespmem:s11+$0x1A000] =	vst v9;
	v4 =	vmul.f32 v5, v4  }
0xd9: {  	v5 =	vld [tilespmem:s1+$0x14050];
	[tilespmem:s11+$0x1A010] =	vst v1;
	v1 =	vmul.f32 v3, v2  }
0xda: {  	v2 =	vld [tilespmem:s1+$0x11000];
	[tilespmem:s11+$0x1A020] =	vst v4;
	v3 =	vmul.f32 v7, v6  }
0xdb: {  	v4 =	vld [tilespmem:s1+$0xE010];
	[tilespmem:s11+$0x1A030] =	vst v1  }
0xdc: {  	v1 =	vld [tilespmem:s1+$0x11010];
	v0 =	vmul.f32 v10, v0;
	[tilespmem:s11+$0x1A040] =	vst v3;
	s11 =	smov.u32 s1  }
0xdd: {  	v3 =	vld [tilespmem:s11+$0xE020]  }
0xde: {  	v6 =	vld [tilespmem:s11+$0x11020];
	v0 =	vmul.f32 v5, v0  }
0xdf: {  	v9 =	vmul.f32 v2, v8;
	v2 =	vld [tilespmem:s11+$0xE030]  }
0xe0: {  	v7 =	vld [tilespmem:s11+$0x11030];
	[tilespmem:s11+$0x1A050] =	vst v0  }
0xe1: {  	v1 =	vmul.f32 v1, v4;
	v0 =	vld [tilespmem:s11+$0xE040]  }
0xe2: {  	v10 =	vld [tilespmem:s11+$0x11040]  }
0xe3: {  	v11 =	vld [tilespmem:s11+$0x14000];
	v4 =	vmul.f32 v6, v3  }
.Ltmp2:
0xe4: {  	v8 =	vld [tilespmem:s11+$0x14010];
	(pc) =	sbr.rel @p0 .LBB2_8-.Ltmp2, $4  }
0xe5: {  	v5 =	vld [tilespmem:s11+$0x14020];
	v2 =	vmul.f32 v7, v2  }
0xe6: {  	v3 =	vld [tilespmem:s11+$0x14030]  }
0xe7: {  	s1 =	sshra.s32 s2, $0x2;
	v6 =	vmul.f32 v10, v0;
	v7 =	vld [tilespmem:s11+$0x14040]  }
0xe8: {  	s2 =	sadd.s32 $0x180, s2;
	v0 =	vld [tilespmem:s1+$0xE050];
	v9 =	vmul.f32 v11, v9  }
0xe9: {  	v10 =	vld [tilespmem:s1+$0x11050];
	v1 =	vmul.f32 v8, v1  }
0xea: {  	v11 =	vld [tilespmem:s1+$0xE000];
	[tilespmem:s11+$0x1A000] =	vst v9;
	v4 =	vmul.f32 v5, v4  }
0xeb: {  	v50 =	vld [tilespmem:s1+$0x14050];
	[tilespmem:s11+$0x1A010] =	vst v1;
	v2 =	vmul.f32 v3, v2  }
0xec: {  	v1 =	vld [tilespmem:s1+$0x11000];
	[tilespmem:s11+$0x1A020] =	vst v4;
	v52 =	vmul.f32 v7, v6  }
0xed: {  	v51 =	vld [tilespmem:s1+$0xE010];
	[tilespmem:s11+$0x1A030] =	vst v2  }
0xee: {  	v2 =	vld [tilespmem:s1+$0x11010];
	[tilespmem:s11+$0x1A040] =	vst v52  }
0xef: {  	v4 =	vld [tilespmem:s1+$0xE020]  }
0xf0: {  	v53 =	vld [tilespmem:s1+$0x11020]  }
0xf1: {  	v54 =	vld [tilespmem:s1+$0xE030]  }
0xf2: {  	v55 =	vld [tilespmem:s1+$0x11030]  }
0xf3: {  	v56 =	vld [tilespmem:s1+$0xE040]  }
0xf4: {  	v57 =	vld [tilespmem:s1+$0x11040]  }
0xf5: {  	v9 =	vld [tilespmem:s1+$0x14000]  }
0xf6: {  	v58 =	vld [tilespmem:s1+$0x14010]  }
0xf7: {  	v0 =	vmul.f32 v10, v0;
	v12 =	vld [tilespmem:s1+$0x14020]  }
0xf8: {  	v59 =	vld [tilespmem:s1+$0x14030];
	v1 =	vmul.f32 v1, v11  }
0xf9: {  	v60 =	vld [tilespmem:s1+$0x14040];
	v0 =	vmul.f32 v50, v0;
	v2 =	vmul.f32 v2, v51  }
0xfa: {  	v4 =	vmul.f32 v53, v4;
	v1 =	vmul.f32 v9, v1  }
0xfb: {  	s0 =	sadd.s32 $0x1, s0;
	[tilespmem:s1+$0x1A050] =	vst v0;
	v61 =	vmul.f32 v55, v54;
	v2 =	vmul.f32 v58, v2  }
0xfc: {  	p0 =	sne.s32 s0, $0x10;
	v0 =	vmul.f32 v57, v56;
	[tilespmem:s1+$0x1A000] =	vst v1;
	v62 =	vmul.f32 v12, v4  }
.Ltmp3:
0xfd: {  	s2 =	sadd.s32 s31, s5;
	v63 =	vmul.f32 v59, v61;
	[tilespmem:s1+$0x1A010] =	vst v2;
	(pc) =	sbr.rel @p0 .LBB2_5-.Ltmp3, $4  }
0xfe: {  	s2 =	smul.u32 $0xC, s2;
	v0 =	vmul.f32 v60, v0;
	[tilespmem:s1+$0x1A020] =	vst v62  }
0xff: {  	[tilespmem:s1+$0x1A030] =	vst v63  }
0x100: {  	s29 =	sadd.s32 s9, s2;
	[tilespmem:s1+$0x1A040] =	vst v0  }
0x101: {  	[hbm4b:s29+s3] =	stream.linear.scatter [tilespmem:s26], [sflag:$0x2], $0x3000, $0x38;
	[tilespmem:$0x1D000] =	vst v63  }
0x102: {  	s30 =	sadd.s32 $0x1, s30  }
0x103: {  	_ =	swait.ge [sflag:s28], $0x3000;
	p0 =	sne.s32 s30, $0x4  }
.Ltmp4:
0x104: {  	[sflag:s28] =	ssyncset.done $0x0;
	(pc) =	sbr.rel @p0 .LBB2_2-.Ltmp4, $4  }
0x105: {  	[sflag:s28] =	ssyncadd.s32 $0xFFFFD000  }
0x106: {  	_ =	swait.ge [sflag:s28], $0x3000  }
0x107: {  	[sflag:s28] =	ssyncset.done $0x0  }
0x108: {  	[sflag:s28] =	ssyncadd.s32 $0xFFFFD000  }
0x109: {  	s1 =	rddreg [dreg:$0x5]  }
0x10a: {  	s0 =	rddreg [dreg:$0x4];
	s1 =	sadd.s32 $0x1, s1  }
0x10b: {  	p0 =	sne.s32 s1, s0  }
.Ltmp5:
0x10c: {  	_ = 	snop;
	(pc) =	sbr.rel @p0 .LBB2_1-.Ltmp5, $1  }
0x10d: {  	_ =	sdelay $0x3  }
0x10e: {  	_ =	sfence.sel $0x180000  }
0x10f: {  	[bflag:$0x0] =	sbarrier.arrive $0xFFFF  }
0x110: {  	_ =	strace $0x90000047  }
0x111: {  	s0 =	stileid.u32;
	[bflag:$0x2] =	sbarrier.arrive $0xFFFF  }
0x112: {  	p0 =	sne.s32 s0, $0x0;
	s0 =	rddreg [dreg:$0x3]  }
0x113: {  	s0 =	sadd.s32 @!p0 $0x100000, s0  }
0x114: {  	[sflag:s0] =	ssyncadd.tile.s32 @!p0 $0x1;
	_ =	shalt  }
.Lfunc_end2:
_tile_overlayer_lowered:
.L_overlay_start_2:
0x115: {  	(tag) =	ssettag $0x2  }
0x116: {  	s0 =	rddreg [dreg:$0x0];
	s2 =	stileid.u32  }
0x117: {  	s1 =	rddreg [dreg:$0x1];
	p0 =	sne.s32 s2, $0x0  }
0x118: {  	s3 =	rddreg [dreg:$0x2];
	[bflag:$0x3] =	sbarrier.arrive $0xFFFF;
	s2 =	simm.s32 @!p0 $0x1C04  }
0x119: {  	[timem:s3], [sflag:s2] =	dma.local @!p0 [hbm:s0], s1  }
0x11a: {  	s0 =	simm.s32 @!p0 $0x4  }
0x11b: {  	_ =	swait.ge @!p0 [sflag:s0], s1  }
0x11c: {  	s1 =	ssub.s32 @!p0 $0x0, s1;
	[sflag:s0] =	ssyncset.done @!p0 $0x0  }
0x11d: {  	[sflag:s0] =	ssyncadd.s32 @!p0 s1  }
0x11e: {  	[bflag:$0x3] =	sbarrier.arrive $0xFFFF  }
0x11f: {  	_ =	shalt  }

</sc_bundles>
